<compile_context>
chip_gen: v7x
topology: tpu7x:2x2x1
jax: 0.10.2.dev20260603
libtpu: 0.0.44.dev20260713+nightly
codegen_flags: <defaults>
</compile_context>

<pallas_src>
import functools

import jax
import jax.numpy as jnp
from jax import lax
from jax.experimental import pallas as pl
from jax.experimental.pallas import tpu as pltpu
from jax.experimental.pallas import tpu_sc as plsc

_NC = 2
_NS = 16
_L = 128
_U = 8
_R = _U * _L
_TILE = _U * 8 * _L


def kernel(edge_idxs, table):
    n, d = table.shape
    nb = n // _L
    na = d // 8
    nw = _NC * _NS
    n_units = nb // _U
    max_iters = (n_units + nw - 1) // nw
    m2 = ((max_iters + 2) // 2) * 2
    mesh = plsc.VectorSubcoreMesh(core_axis_name="c", subcore_axis_name="s")
    cp = pltpu.CompilerParams(use_tc_tiling_on_sc=False,
                              needs_layout_passes=False)

    q2 = (table.reshape(nb, _L, na, 8).transpose(2, 0, 3, 1)
          .reshape(na, nb * 8 * _L))

    @functools.partial(
        pl.kernel,
        mesh=mesh,
        out_type=jax.ShapeDtypeStruct((n, d), table.dtype),
        scratch_types=[
            pltpu.VMEM((2, na * _TILE), jnp.float32),
            pltpu.VMEM((2, _R, d), jnp.float32),
            pltpu.SemaphoreType.DMA,
            pltpu.SemaphoreType.DMA,
            pltpu.SemaphoreType.DMA,
            pltpu.SemaphoreType.DMA,
        ],
        compiler_params=cp,
    )
    def relayout(q_hbm, rm_hbm, tin_v, rbuf_v, is0, is1, os0, os1):
        wid = lax.axis_index("s") * _NC + lax.axis_index("c")
        jj = jnp.arange(16, dtype=jnp.int32)
        jbase = (jj // 8) * _TILE + (jj % 8) * _L
        isems = (is0, is1)
        osems = (os0, os1)

        def start_in(p, u):
            pltpu.async_copy(q_hbm.at[0, pl.ds(u * _TILE, _TILE)],
                             tin_v.at[p, pl.ds(0, _TILE)], isems[p])
            pltpu.async_copy(q_hbm.at[1, pl.ds(u * _TILE, _TILE)],
                             tin_v.at[p, pl.ds(_TILE, _TILE)], isems[p])

        def wait_in(p):
            pltpu.make_async_copy(q_hbm.at[0, pl.ds(0, _TILE)],
                                  tin_v.at[p, pl.ds(0, _TILE)], isems[p]).wait()
            pltpu.make_async_copy(q_hbm.at[1, pl.ds(0, _TILE)],
                                  tin_v.at[p, pl.ds(_TILE, _TILE)],
                                  isems[p]).wait()

        def start_out(p, u):
            pltpu.async_copy(rbuf_v.at[p], rm_hbm.at[pl.ds(u * _R, _R)],
                             osems[p])

        def wait_out(p):
            pltpu.make_async_copy(rbuf_v.at[p], rm_hbm.at[pl.ds(0, _R)],
                                  osems[p]).wait()

        for p in (0, 1):
            u0 = wid + p * nw

            @pl.when(u0 < n_units)
            def _():
                start_in(p, u0)

        @pl.loop(0, m2, step=2)
        def _(i):
            for p in (0, 1):
                it = i + p
                u = wid + it * nw

                @pl.when(u < n_units)
                def _():
                    wait_in(p)

                    @pl.when(it >= 2)
                    def _():
                        wait_out(p)

                    @pl.loop(0, _U)
                    def _(b):
                        jb = jbase + b * (8 * _L)

                        @plsc.parallel_loop(0, _L, unroll=8)
                        def _(l):
                            vals = plsc.load_gather(tin_v.at[p], [jb + l])
                            rbuf_v[p, b * _L + l] = vals

                    start_out(p, u)
                    un = u + 2 * nw

                    @pl.when(un < n_units)
                    def _():
                        start_in(p, un)

        wait_out(0)
        wait_out(1)

    @functools.partial(
        pl.kernel,
        mesh=mesh,
        out_type=jax.ShapeDtypeStruct((na, nb * 8 * _L), jnp.float32),
        scratch_types=[
            pltpu.VMEM((2, _R), jnp.int32),
            pltpu.VMEM((2, _R, d), jnp.float32),
            pltpu.VMEM((2, na * _TILE), jnp.float32),
            pltpu.SemaphoreType.DMA,
            pltpu.SemaphoreType.DMA,
            pltpu.SemaphoreType.DMA,
            pltpu.SemaphoreType.DMA,
            pltpu.SemaphoreType.DMA,
            pltpu.SemaphoreType.DMA,
        ],
        compiler_params=cp,
    )
    def gather(rm_hbm, idx_hbm, out_hbm, idx_v, rows_v, tiles_v,
               xs0, xs1, gs0, gs1, os0, os1):
        wid = lax.axis_index("s") * _NC + lax.axis_index("c")
        jj = jnp.arange(16, dtype=jnp.int32)
        jbase = (jj // 8) * _TILE + (jj % 8) * _L
        xsems = (xs0, xs1)
        gsems = (gs0, gs1)
        osems = (os0, os1)

        def start_idx(p, u):
            pltpu.async_copy(idx_hbm.at[pl.ds(u * _R, _R)], idx_v.at[p],
                             xsems[p])

        def wait_idx(p):
            pltpu.make_async_copy(idx_hbm.at[pl.ds(0, _R)], idx_v.at[p],
                                  xsems[p]).wait()

        def fire_gathers(p):
            pltpu.async_copy(rm_hbm.at[idx_v.at[p]], rows_v.at[p], gsems[p])

        def drain_gathers(p):
            pltpu.make_async_copy(rm_hbm.at[idx_v.at[p]], rows_v.at[p],
                                  gsems[p]).wait()

        def start_out(p, u):
            pltpu.async_copy(tiles_v.at[p, pl.ds(0, _TILE)],
                             out_hbm.at[0, pl.ds(u * _TILE, _TILE)], osems[p])
            pltpu.async_copy(tiles_v.at[p, pl.ds(_TILE, _TILE)],
                             out_hbm.at[1, pl.ds(u * _TILE, _TILE)], osems[p])

        def wait_out(p):
            pltpu.make_async_copy(tiles_v.at[p, pl.ds(0, _TILE)],
                                  out_hbm.at[0, pl.ds(0, _TILE)],
                                  osems[p]).wait()
            pltpu.make_async_copy(tiles_v.at[p, pl.ds(_TILE, _TILE)],
                                  out_hbm.at[1, pl.ds(0, _TILE)],
                                  osems[p]).wait()

        for p in (0, 1):
            u0 = wid + p * nw

            @pl.when(u0 < n_units)
            def _():
                start_idx(p, u0)

        @pl.loop(0, m2, step=2)
        def _(i):
            for p in (0, 1):
                it = i + p
                u = wid + it * nw

                @pl.when(u < n_units)
                def _():
                    wait_idx(p)
                    fire_gathers(p)

                itp = it - 1
                up = wid + itp * nw
                qb = 1 - p

                @pl.when((itp >= 0) & (up < n_units))
                def _():
                    drain_gathers(qb)
                    un = up + 2 * nw

                    @pl.when(un < n_units)
                    def _():
                        start_idx(qb, un)

                    @pl.when(itp >= 2)
                    def _():
                        wait_out(qb)

                    @pl.loop(0, _U)
                    def _(b):
                        jb = jbase + b * (8 * _L)

                        @plsc.parallel_loop(0, _L, unroll=8)
                        def _(l):
                            vals = rows_v[qb, b * _L + l]
                            plsc.store_scatter(tiles_v.at[qb], [jb + l], vals)

                    start_out(qb, up)

        wait_out(0)
        wait_out(1)

    rm = relayout(q2)
    out2 = gather(rm, edge_idxs)
    return (out2.reshape(na, nb, 8, _L).transpose(1, 3, 0, 2)
            .reshape(n, d))

# --- scband reference (transcript-rebuilt; emitter-appended) ---
"""Pipeline reference for scband-learned-edge-embedding-79035988181182 (READ-ONLY COPY).

The authoritative reference and input builder live on the scoring server;
editing this copy changes nothing except your own understanding.
"""

import jax, jax.numpy as jnp
import numpy as np

NUM_EDGES = 3200000
EMBED_DIM = 16

def setup_inputs(seed: int = 0) -> dict:
    key = jax.random.key(seed)
    k1, k2 = jax.random.split(key)
    edge_idxs = jax.random.randint(k1, (NUM_EDGES,), 0, NUM_EDGES, dtype=jnp.int64 if jax.config.jax_enable_x64 else jnp.int32)
    table = jax.random.normal(k2, (NUM_EDGES, EMBED_DIM), dtype=jnp.float32)
    return {"edge_idxs": edge_idxs, "table": table}

def reference(edge_idxs, table):
    # LearnedEdgeEmbedding.forward: embedding lookup over (uncollated) edge indices.
    # With batch_size == 1, edge_idxs_to_uncollated_edge_idxs is the identity mapping,
    # so the forward reduces to a plain embedding gather.
    return jnp.take(table, edge_idxs, axis=0)

if __name__ == "__main__":
    import jax
    _d = setup_inputs()
    print(jax.jit(kernel)(*tuple(_d.values())))

</pallas_src>

<mosaic_0001>
#map = affine_map<(d0, d1) -> (0, 0)>
module attributes {stable_mosaic.version = 14 : i64} {
  func.func @relayout(%arg0: i32, %arg1: i32, %arg2: memref<2x25600000xf32, #tpu.memory_space<hbm>>, %arg3: memref<3200000x16xf32, #tpu.memory_space<hbm>>, %arg4: memref<2x16384xf32, #tpu.memory_space<vmem>>, %arg5: memref<2x1024x16xf32, #tpu.memory_space<vmem>>, %arg6: memref<!tpu.dma_semaphore, #tpu.memory_space<semaphore_mem>>, %arg7: memref<!tpu.dma_semaphore, #tpu.memory_space<semaphore_mem>>, %arg8: memref<!tpu.dma_semaphore, #tpu.memory_space<semaphore_mem>>, %arg9: memref<!tpu.dma_semaphore, #tpu.memory_space<semaphore_mem>>) attributes {dimension_semantics = [#tpu.dimension_semantics<core_parallel>, #tpu.dimension_semantics<subcore_parallel>], iteration_bounds = array<i64: 2, 16>, scalar_prefetch = 0 : i64, scratch_operands = 6 : i64, tpu.core_type = #tpu.core_type<sc_vector_subcore>, window_params = [{transform_indices = #map}, {transform_indices = #map}]} {
    %mul3A = arith.constant 2 : i32
    %mul3A_0 = arith.muli %arg1, %mul3A : i32
    %add3A = arith.addi %mul3A_0, %arg0 : i32
    %iota3A = tpu.iota {dimensions = array<i32: 0>} : vector<16xi32>
    %jit3A = arith.constant 8 : i32
    %div3A = vector.broadcast %jit3A : i32 to vector<16xi32>
    %div3A_1 = arith.divsi %iota3A, %div3A : vector<16xi32>
    %sign3A = arith.constant 0 : i32
    %sign3A_2 = vector.broadcast %sign3A : i32 to vector<16xi32>
    %sign3A_3 = arith.cmpi sgt, %iota3A, %sign3A_2 : vector<16xi32>
    %sign3A_4 = arith.extui %sign3A_3 : vector<16xi1> to vector<16xi32>
    %sign3A_5 = arith.constant 0 : i32
    %sign3A_6 = vector.broadcast %sign3A_5 : i32 to vector<16xi32>
    %sign3A_7 = arith.cmpi slt, %iota3A, %sign3A_6 : vector<16xi32>
    %sign3A_8 = arith.extui %sign3A_7 : vector<16xi1> to vector<16xi32>
    %sign3A_9 = arith.subi %sign3A_4, %sign3A_8 : vector<16xi32>
    %sign3A_10 = arith.constant 0 : i32
    %sign3A_11 = arith.cmpi sgt, %jit3A, %sign3A_10 : i32
    %sign3A_12 = arith.extui %sign3A_11 : i1 to i32
    %sign3A_13 = arith.constant 0 : i32
    %sign3A_14 = arith.cmpi slt, %jit3A, %sign3A_13 : i32
    %sign3A_15 = arith.extui %sign3A_14 : i1 to i32
    %sign3A_16 = arith.subi %sign3A_12, %sign3A_15 : i32
    %ne3A = vector.broadcast %sign3A_16 : i32 to vector<16xi32>
    %ne3A_17 = arith.cmpi ne, %sign3A_9, %ne3A : vector<16xi32>
    %rem3A = vector.broadcast %jit3A : i32 to vector<16xi32>
    %rem3A_18 = arith.remsi %iota3A, %rem3A : vector<16xi32>
    %ne3A_19 = arith.constant 0 : i32
    %ne3A_20 = vector.broadcast %ne3A_19 : i32 to vector<16xi32>
    %ne3A_21 = arith.cmpi ne, %rem3A_18, %ne3A_20 : vector<16xi32>
    %and3A = arith.andi %ne3A_17, %ne3A_21 : vector<16xi1>
    %sub3A = arith.constant 1 : i32
    %sub3A_22 = vector.broadcast %sub3A : i32 to vector<16xi32>
    %sub3A_23 = arith.subi %div3A_1, %sub3A_22 : vector<16xi32>
    %select_n3A = arith.select %and3A, %sub3A_23, %div3A_1 : vector<16xi1>, vector<16xi32>
    %mul3A_24 = arith.constant 8192 : i32
    %mul3A_25 = vector.broadcast %mul3A_24 : i32 to vector<16xi32>
    %mul3A_26 = arith.muli %select_n3A, %mul3A_25 : vector<16xi32>
    %jit3A_27 = arith.constant 8 : i32
    %eq3A = arith.constant 0 : i32
    %eq3A_28 = arith.cmpi eq, %jit3A_27, %eq3A : i32
    %jit3A_29 = arith.constant 1 : i32
    %select_n3A_30 = arith.select %eq3A_28, %jit3A_29, %jit3A_27 : i32
    %rem3A_31 = vector.broadcast %select_n3A_30 : i32 to vector<16xi32>
    %rem3A_32 = arith.remsi %iota3A, %rem3A_31 : vector<16xi32>
    %ne3A_33 = arith.constant 0 : i32
    %ne3A_34 = vector.broadcast %ne3A_33 : i32 to vector<16xi32>
    %ne3A_35 = arith.cmpi ne, %rem3A_32, %ne3A_34 : vector<16xi32>
    %lt3A = arith.constant 0 : i32
    %lt3A_36 = vector.broadcast %lt3A : i32 to vector<16xi32>
    %lt3A_37 = arith.cmpi slt, %rem3A_32, %lt3A_36 : vector<16xi32>
    %lt3A_38 = arith.constant 0 : i32
    %lt3A_39 = arith.cmpi slt, %select_n3A_30, %lt3A_38 : i32
    %ne3A_40 = vector.broadcast %lt3A_39 : i1 to vector<16xi1>
    %ne3A_41 = vector.broadcast %ne3A_40 : vector<16xi1> to vector<16xi1>
    %ne3A_42 = arith.xori %lt3A_37, %ne3A_41 : vector<16xi1>
    %and3A_43 = arith.andi %ne3A_42, %ne3A_35 : vector<16xi1>
    %add3A_44 = vector.broadcast %select_n3A_30 : i32 to vector<16xi32>
    %add3A_45 = arith.addi %rem3A_32, %add3A_44 : vector<16xi32>
    %select_n3A_46 = arith.select %and3A_43, %add3A_45, %rem3A_32 : vector<16xi1>, vector<16xi32>
    %mul3A_47 = arith.constant 128 : i32
    %mul3A_48 = vector.broadcast %mul3A_47 : i32 to vector<16xi32>
    %mul3A_49 = arith.muli %select_n3A_46, %mul3A_48 : vector<16xi32>
    %add3A_50 = arith.addi %mul3A_26, %mul3A_49 : vector<16xi32>
    %add3A_51 = arith.constant 0 : i32
    %add3A_52 = arith.addi %add3A, %add3A_51 : i32
    %lt3A_53 = arith.constant 3125 : i32
    %lt3A_54 = arith.cmpi slt, %add3A_52, %lt3A_53 : i32
    %convert_element_type3A = arith.extui %lt3A_54 : i1 to i32
    %cond3A = arith.constant 0 : i32
    %cond3A_55 = arith.cmpi ne, %convert_element_type3A, %cond3A : i32
    scf.if %cond3A_55 {
      %mul3A_96 = arith.constant 8192 : i32
      %mul3A_97 = arith.muli %add3A_52, %mul3A_96 : i32
      %dma_start3A = arith.constant 0 : i32
      %dma_start3A_98 = arith.constant 0 : i32
      %dma_start3A_99 = arith.constant 0 : i32
      %dma_start3A_100 = tpu.memref_slice %arg4[%dma_start3A_98, %dma_start3A_99] : memref<2x16384xf32, #tpu.memory_space<vmem>> -> memref<1x8192xf32, #tpu.memory_space<vmem>>
      %dma_start3A_101 = tpu.memref_squeeze %dma_start3A_100 : memref<1x8192xf32, #tpu.memory_space<vmem>> -> memref<8192xf32, #tpu.memory_space<vmem>>
      %dma_start3A_102 = tpu.memref_slice %arg2[%dma_start3A, %mul3A_97] : memref<2x25600000xf32, #tpu.memory_space<hbm>> -> memref<1x8192xf32, #tpu.memory_space<hbm>>
      %dma_start3A_103 = tpu.memref_squeeze %dma_start3A_102 : memref<1x8192xf32, #tpu.memory_space<hbm>> -> memref<8192xf32, #tpu.memory_space<hbm>>
      %dma_start3A_104 = arith.constant 0 : i32
      %dma_start3A_105 = tpu.memref_slice %arg4[%dma_start3A_98, %dma_start3A_104] : memref<2x16384xf32, #tpu.memory_space<vmem>> -> memref<1x8192xf32, #tpu.memory_space<vmem>>
      %dma_start3A_106 = tpu.memref_squeeze %dma_start3A_105 : memref<1x8192xf32, #tpu.memory_space<vmem>> -> memref<8192xf32, #tpu.memory_space<vmem>>
      %dma_start3A_107 = tpu.memref_slice %arg2[%dma_start3A, %mul3A_97] : memref<2x25600000xf32, #tpu.memory_space<hbm>> -> memref<1x8192xf32, #tpu.memory_space<hbm>>
      %dma_start3A_108 = tpu.memref_squeeze %dma_start3A_107 : memref<1x8192xf32, #tpu.memory_space<hbm>> -> memref<8192xf32, #tpu.memory_space<hbm>>
      tpu.enqueue_dma source(%dma_start3A_108 : memref<8192xf32, #tpu.memory_space<hbm>>) target(%dma_start3A_106 : memref<8192xf32, #tpu.memory_space<vmem>>) target_semaphore(%arg6 : memref<!tpu.dma_semaphore, #tpu.memory_space<semaphore_mem>>)
      %mul3A_109 = arith.constant 8192 : i32
      %mul3A_110 = arith.muli %add3A_52, %mul3A_109 : i32
      %dma_start3A_111 = arith.constant 1 : i32
      %dma_start3A_112 = arith.constant 0 : i32
      %dma_start3A_113 = arith.constant 8192 : i32
      %dma_start3A_114 = tpu.memref_slice %arg4[%dma_start3A_112, %dma_start3A_113] : memref<2x16384xf32, #tpu.memory_space<vmem>> -> memref<1x8192xf32, #tpu.memory_space<vmem>>
      %dma_start3A_115 = tpu.memref_squeeze %dma_start3A_114 : memref<1x8192xf32, #tpu.memory_space<vmem>> -> memref<8192xf32, #tpu.memory_space<vmem>>
      %dma_start3A_116 = tpu.memref_slice %arg2[%dma_start3A_111, %mul3A_110] : memref<2x25600000xf32, #tpu.memory_space<hbm>> -> memref<1x8192xf32, #tpu.memory_space<hbm>>
      %dma_start3A_117 = tpu.memref_squeeze %dma_start3A_116 : memref<1x8192xf32, #tpu.memory_space<hbm>> -> memref<8192xf32, #tpu.memory_space<hbm>>
      %dma_start3A_118 = arith.constant 8192 : i32
      %dma_start3A_119 = tpu.memref_slice %arg4[%dma_start3A_112, %dma_start3A_118] : memref<2x16384xf32, #tpu.memory_space<vmem>> -> memref<1x8192xf32, #tpu.memory_space<vmem>>
      %dma_start3A_120 = tpu.memref_squeeze %dma_start3A_119 : memref<1x8192xf32, #tpu.memory_space<vmem>> -> memref<8192xf32, #tpu.memory_space<vmem>>
      %dma_start3A_121 = tpu.memref_slice %arg2[%dma_start3A_111, %mul3A_110] : memref<2x25600000xf32, #tpu.memory_space<hbm>> -> memref<1x8192xf32, #tpu.memory_space<hbm>>
      %dma_start3A_122 = tpu.memref_squeeze %dma_start3A_121 : memref<1x8192xf32, #tpu.memory_space<hbm>> -> memref<8192xf32, #tpu.memory_space<hbm>>
      tpu.enqueue_dma source(%dma_start3A_122 : memref<8192xf32, #tpu.memory_space<hbm>>) target(%dma_start3A_120 : memref<8192xf32, #tpu.memory_space<vmem>>) target_semaphore(%arg6 : memref<!tpu.dma_semaphore, #tpu.memory_space<semaphore_mem>>)
    } else {
    }
    %add3A_56 = arith.constant 32 : i32
    %add3A_57 = arith.addi %add3A, %add3A_56 : i32
    %lt3A_58 = arith.constant 3125 : i32
    %lt3A_59 = arith.cmpi slt, %add3A_57, %lt3A_58 : i32
    %convert_element_type3A_60 = arith.extui %lt3A_59 : i1 to i32
    %cond3A_61 = arith.constant 0 : i32
    %cond3A_62 = arith.cmpi ne, %convert_element_type3A_60, %cond3A_61 : i32
    scf.if %cond3A_62 {
      %mul3A_96 = arith.constant 8192 : i32
      %mul3A_97 = arith.muli %add3A_57, %mul3A_96 : i32
      %dma_start3A = arith.constant 0 : i32
      %dma_start3A_98 = arith.constant 1 : i32
      %dma_start3A_99 = arith.constant 0 : i32
      %dma_start3A_100 = tpu.memref_slice %arg4[%dma_start3A_98, %dma_start3A_99] : memref<2x16384xf32, #tpu.memory_space<vmem>> -> memref<1x8192xf32, #tpu.memory_space<vmem>>
      %dma_start3A_101 = tpu.memref_squeeze %dma_start3A_100 : memref<1x8192xf32, #tpu.memory_space<vmem>> -> memref<8192xf32, #tpu.memory_space<vmem>>
      %dma_start3A_102 = tpu.memref_slice %arg2[%dma_start3A, %mul3A_97] : memref<2x25600000xf32, #tpu.memory_space<hbm>> -> memref<1x8192xf32, #tpu.memory_space<hbm>>
      %dma_start3A_103 = tpu.memref_squeeze %dma_start3A_102 : memref<1x8192xf32, #tpu.memory_space<hbm>> -> memref<8192xf32, #tpu.memory_space<hbm>>
      %dma_start3A_104 = arith.constant 0 : i32
      %dma_start3A_105 = tpu.memref_slice %arg4[%dma_start3A_98, %dma_start3A_104] : memref<2x16384xf32, #tpu.memory_space<vmem>> -> memref<1x8192xf32, #tpu.memory_space<vmem>>
      %dma_start3A_106 = tpu.memref_squeeze %dma_start3A_105 : memref<1x8192xf32, #tpu.memory_space<vmem>> -> memref<8192xf32, #tpu.memory_space<vmem>>
      %dma_start3A_107 = tpu.memref_slice %arg2[%dma_start3A, %mul3A_97] : memref<2x25600000xf32, #tpu.memory_space<hbm>> -> memref<1x8192xf32, #tpu.memory_space<hbm>>
      %dma_start3A_108 = tpu.memref_squeeze %dma_start3A_107 : memref<1x8192xf32, #tpu.memory_space<hbm>> -> memref<8192xf32, #tpu.memory_space<hbm>>
      tpu.enqueue_dma source(%dma_start3A_108 : memref<8192xf32, #tpu.memory_space<hbm>>) target(%dma_start3A_106 : memref<8192xf32, #tpu.memory_space<vmem>>) target_semaphore(%arg7 : memref<!tpu.dma_semaphore, #tpu.memory_space<semaphore_mem>>)
      %mul3A_109 = arith.constant 8192 : i32
      %mul3A_110 = arith.muli %add3A_57, %mul3A_109 : i32
      %dma_start3A_111 = arith.constant 1 : i32
      %dma_start3A_112 = arith.constant 1 : i32
      %dma_start3A_113 = arith.constant 8192 : i32
      %dma_start3A_114 = tpu.memref_slice %arg4[%dma_start3A_112, %dma_start3A_113] : memref<2x16384xf32, #tpu.memory_space<vmem>> -> memref<1x8192xf32, #tpu.memory_space<vmem>>
      %dma_start3A_115 = tpu.memref_squeeze %dma_start3A_114 : memref<1x8192xf32, #tpu.memory_space<vmem>> -> memref<8192xf32, #tpu.memory_space<vmem>>
      %dma_start3A_116 = tpu.memref_slice %arg2[%dma_start3A_111, %mul3A_110] : memref<2x25600000xf32, #tpu.memory_space<hbm>> -> memref<1x8192xf32, #tpu.memory_space<hbm>>
      %dma_start3A_117 = tpu.memref_squeeze %dma_start3A_116 : memref<1x8192xf32, #tpu.memory_space<hbm>> -> memref<8192xf32, #tpu.memory_space<hbm>>
      %dma_start3A_118 = arith.constant 8192 : i32
      %dma_start3A_119 = tpu.memref_slice %arg4[%dma_start3A_112, %dma_start3A_118] : memref<2x16384xf32, #tpu.memory_space<vmem>> -> memref<1x8192xf32, #tpu.memory_space<vmem>>
      %dma_start3A_120 = tpu.memref_squeeze %dma_start3A_119 : memref<1x8192xf32, #tpu.memory_space<vmem>> -> memref<8192xf32, #tpu.memory_space<vmem>>
      %dma_start3A_121 = tpu.memref_slice %arg2[%dma_start3A_111, %mul3A_110] : memref<2x25600000xf32, #tpu.memory_space<hbm>> -> memref<1x8192xf32, #tpu.memory_space<hbm>>
      %dma_start3A_122 = tpu.memref_squeeze %dma_start3A_121 : memref<1x8192xf32, #tpu.memory_space<hbm>> -> memref<8192xf32, #tpu.memory_space<hbm>>
      tpu.enqueue_dma source(%dma_start3A_122 : memref<8192xf32, #tpu.memory_space<hbm>>) target(%dma_start3A_120 : memref<8192xf32, #tpu.memory_space<vmem>>) target_semaphore(%arg7 : memref<!tpu.dma_semaphore, #tpu.memory_space<semaphore_mem>>)
    } else {
    }
    %scan3A = arith.constant 0 : i32
    %scan3A_63 = arith.constant 50 : i32
    %scan3A_64 = arith.addi %scan3A, %scan3A_63 : i32
    %scan3A_65 = arith.constant 1 : i32
    scf.for %scan3A_96 = %scan3A to %scan3A_64 step %scan3A_65  : i32 {
      %mul3A_97 = arith.constant 2 : i32
      %mul3A_98 = arith.muli %scan3A_96, %mul3A_97 : i32
      %add3A_99 = arith.constant 0 : i32
      %add3A_100 = arith.addi %add3A_99, %mul3A_98 : i32
      %add3A_101 = arith.constant 0 : i32
      %add3A_102 = arith.addi %add3A_100, %add3A_101 : i32
      %mul3A_103 = arith.constant 32 : i32
      %mul3A_104 = arith.muli %add3A_102, %mul3A_103 : i32
      %add3A_105 = arith.addi %add3A, %mul3A_104 : i32
      %lt3A_106 = arith.constant 3125 : i32
      %lt3A_107 = arith.cmpi slt, %add3A_105, %lt3A_106 : i32
      %convert_element_type3A_108 = arith.extui %lt3A_107 : i1 to i32
      %cond3A_109 = arith.constant 0 : i32
      %cond3A_110 = arith.cmpi ne, %convert_element_type3A_108, %cond3A_109 : i32
      scf.if %cond3A_110 {
        %dma_wait3A_121 = arith.constant 0 : i32
        %dma_wait3A_122 = arith.constant 0 : i32
        %dma_wait3A_123 = arith.constant 0 : i32
        %dma_wait3A_124 = tpu.memref_slice %arg4[%dma_wait3A_122, %dma_wait3A_123] : memref<2x16384xf32, #tpu.memory_space<vmem>> -> memref<1x8192xf32, #tpu.memory_space<vmem>>
        %dma_wait3A_125 = tpu.memref_squeeze %dma_wait3A_124 : memref<1x8192xf32, #tpu.memory_space<vmem>> -> memref<8192xf32, #tpu.memory_space<vmem>>
        %dma_wait3A_126 = arith.constant 0 : i32
        %dma_wait3A_127 = tpu.memref_slice %arg2[%dma_wait3A_121, %dma_wait3A_126] : memref<2x25600000xf32, #tpu.memory_space<hbm>> -> memref<1x8192xf32, #tpu.memory_space<hbm>>
        %dma_wait3A_128 = tpu.memref_squeeze %dma_wait3A_127 : memref<1x8192xf32, #tpu.memory_space<hbm>> -> memref<8192xf32, #tpu.memory_space<hbm>>
        %dma_wait3A_129 = arith.constant 0 : i32
        %dma_wait3A_130 = tpu.memref_slice %arg4[%dma_wait3A_122, %dma_wait3A_129] : memref<2x16384xf32, #tpu.memory_space<vmem>> -> memref<1x8192xf32, #tpu.memory_space<vmem>>
        %dma_wait3A_131 = tpu.memref_squeeze %dma_wait3A_130 : memref<1x8192xf32, #tpu.memory_space<vmem>> -> memref<8192xf32, #tpu.memory_space<vmem>>
        %dma_wait3A_132 = arith.constant 0 : i32
        %dma_wait3A_133 = tpu.memref_slice %arg2[%dma_wait3A_121, %dma_wait3A_132] : memref<2x25600000xf32, #tpu.memory_space<hbm>> -> memref<1x8192xf32, #tpu.memory_space<hbm>>
        %dma_wait3A_134 = tpu.memref_squeeze %dma_wait3A_133 : memref<1x8192xf32, #tpu.memory_space<hbm>> -> memref<8192xf32, #tpu.memory_space<hbm>>
        tpu.wait_dma2 semaphore(%arg6 : memref<!tpu.dma_semaphore, #tpu.memory_space<semaphore_mem>>) src(%dma_wait3A_134 : memref<8192xf32, #tpu.memory_space<hbm>>) dst(%dma_wait3A_131 : memref<8192xf32, #tpu.memory_space<vmem>>)
        %dma_wait3A_135 = arith.constant 1 : i32
        %dma_wait3A_136 = arith.constant 0 : i32
        %dma_wait3A_137 = arith.constant 8192 : i32
        %dma_wait3A_138 = tpu.memref_slice %arg4[%dma_wait3A_136, %dma_wait3A_137] : memref<2x16384xf32, #tpu.memory_space<vmem>> -> memref<1x8192xf32, #tpu.memory_space<vmem>>
        %dma_wait3A_139 = tpu.memref_squeeze %dma_wait3A_138 : memref<1x8192xf32, #tpu.memory_space<vmem>> -> memref<8192xf32, #tpu.memory_space<vmem>>
        %dma_wait3A_140 = arith.constant 0 : i32
        %dma_wait3A_141 = tpu.memref_slice %arg2[%dma_wait3A_135, %dma_wait3A_140] : memref<2x25600000xf32, #tpu.memory_space<hbm>> -> memref<1x8192xf32, #tpu.memory_space<hbm>>
        %dma_wait3A_142 = tpu.memref_squeeze %dma_wait3A_141 : memref<1x8192xf32, #tpu.memory_space<hbm>> -> memref<8192xf32, #tpu.memory_space<hbm>>
        %dma_wait3A_143 = arith.constant 8192 : i32
        %dma_wait3A_144 = tpu.memref_slice %arg4[%dma_wait3A_136, %dma_wait3A_143] : memref<2x16384xf32, #tpu.memory_space<vmem>> -> memref<1x8192xf32, #tpu.memory_space<vmem>>
        %dma_wait3A_145 = tpu.memref_squeeze %dma_wait3A_144 : memref<1x8192xf32, #tpu.memory_space<vmem>> -> memref<8192xf32, #tpu.memory_space<vmem>>
        %dma_wait3A_146 = arith.constant 0 : i32
        %dma_wait3A_147 = tpu.memref_slice %arg2[%dma_wait3A_135, %dma_wait3A_146] : memref<2x25600000xf32, #tpu.memory_space<hbm>> -> memref<1x8192xf32, #tpu.memory_space<hbm>>
        %dma_wait3A_148 = tpu.memref_squeeze %dma_wait3A_147 : memref<1x8192xf32, #tpu.memory_space<hbm>> -> memref<8192xf32, #tpu.memory_space<hbm>>
        tpu.wait_dma2 semaphore(%arg6 : memref<!tpu.dma_semaphore, #tpu.memory_space<semaphore_mem>>) src(%dma_wait3A_148 : memref<8192xf32, #tpu.memory_space<hbm>>) dst(%dma_wait3A_145 : memref<8192xf32, #tpu.memory_space<vmem>>)
        %ge3A = arith.constant 2 : i32
        %ge3A_149 = arith.cmpi sge, %add3A_102, %ge3A : i32
        %convert_element_type3A_150 = arith.extui %ge3A_149 : i1 to i32
        %cond3A_151 = arith.constant 0 : i32
        %cond3A_152 = arith.cmpi ne, %convert_element_type3A_150, %cond3A_151 : i32
        scf.if %cond3A_152 {
          %dma_wait3A_179 = arith.constant 0 : i32
          %dma_wait3A_180 = arith.constant 0 : i32
          %dma_wait3A_181 = arith.constant 0 : i32
          %dma_wait3A_182 = tpu.memref_slice %arg5[%dma_wait3A_179, %dma_wait3A_180, %dma_wait3A_181] : memref<2x1024x16xf32, #tpu.memory_space<vmem>> -> memref<1x1024x16xf32, #tpu.memory_space<vmem>>
          %dma_wait3A_183 = tpu.memref_squeeze %dma_wait3A_182 : memref<1x1024x16xf32, #tpu.memory_space<vmem>> -> memref<1024x16xf32, #tpu.memory_space<vmem>>
          %dma_wait3A_184 = arith.constant 0 : i32
          %dma_wait3A_185 = arith.constant 0 : i32
          %dma_wait3A_186 = tpu.memref_slice %arg3[%dma_wait3A_184, %dma_wait3A_185] : memref<3200000x16xf32, #tpu.memory_space<hbm>> -> memref<1024x16xf32, #tpu.memory_space<hbm>>
          %dma_wait3A_187 = arith.constant 0 : i32
          %dma_wait3A_188 = arith.constant 0 : i32
          %dma_wait3A_189 = tpu.memref_slice %arg3[%dma_wait3A_187, %dma_wait3A_188] : memref<3200000x16xf32, #tpu.memory_space<hbm>> -> memref<1024x16xf32, #tpu.memory_space<hbm>>
          %dma_wait3A_190 = arith.constant 0 : i32
          %dma_wait3A_191 = arith.constant 0 : i32
          %dma_wait3A_192 = tpu.memref_slice %arg5[%dma_wait3A_179, %dma_wait3A_190, %dma_wait3A_191] : memref<2x1024x16xf32, #tpu.memory_space<vmem>> -> memref<1x1024x16xf32, #tpu.memory_space<vmem>>
          %dma_wait3A_193 = tpu.memref_squeeze %dma_wait3A_192 : memref<1x1024x16xf32, #tpu.memory_space<vmem>> -> memref<1024x16xf32, #tpu.memory_space<vmem>>
          tpu.wait_dma2 semaphore(%arg8 : memref<!tpu.dma_semaphore, #tpu.memory_space<semaphore_mem>>) src(%dma_wait3A_193 : memref<1024x16xf32, #tpu.memory_space<vmem>>) dst(%dma_wait3A_189 : memref<1024x16xf32, #tpu.memory_space<hbm>>)
        } else {
        }
        %scan3A_153 = arith.constant 0 : i32
        %scan3A_154 = arith.constant 8 : i32
        %scan3A_155 = arith.addi %scan3A_153, %scan3A_154 : i32
        %scan3A_156 = arith.constant 1 : i32
        scf.for %scan3A_179 = %scan3A_153 to %scan3A_155 step %scan3A_156  : i32 {
          %mul3A_180 = arith.constant 1 : i32
          %mul3A_181 = arith.muli %scan3A_179, %mul3A_180 : i32
          %add3A_182 = arith.constant 0 : i32
          %add3A_183 = arith.addi %add3A_182, %mul3A_181 : i32
          %mul3A_184 = arith.constant 1024 : i32
          %mul3A_185 = arith.muli %add3A_183, %mul3A_184 : i32
          %add3A_186 = vector.broadcast %mul3A_185 : i32 to vector<16xi32>
          %add3A_187 = arith.addi %add3A_50, %add3A_186 : vector<16xi32>
          %parallel_loop3A = arith.constant 0 : i32
          %parallel_loop3A_188 = arith.constant 128 : i32
          %parallel_loop3A_189 = arith.constant 1 : i32
          scf.for %parallel_loop3A_190 = %parallel_loop3A to %parallel_loop3A_188 step %parallel_loop3A_189  : i32 {
            %parallel_loop3A_191 = vector.broadcast %parallel_loop3A_190 : i32 to vector<16xi32>
            %parallel_loop3A_192 = arith.addi %add3A_187, %parallel_loop3A_191 : vector<16xi32>
            %parallel_loop3A_193 = arith.constant 0 : i32
            %parallel_loop3A_194 = arith.constant 0 : i32
            %parallel_loop3A_195 = tpu.memref_slice %arg4[%parallel_loop3A_193, %parallel_loop3A_194] : memref<2x16384xf32, #tpu.memory_space<vmem>> -> memref<1x16384xf32, #tpu.memory_space<vmem>>
            %parallel_loop3A_196 = tpu.memref_squeeze %parallel_loop3A_195 : memref<1x16384xf32, #tpu.memory_space<vmem>> -> memref<16384xf32, #tpu.memory_space<vmem>>
            %parallel_loop3A_197 = tpu.vector_load_idx %parallel_loop3A_196[%parallel_loop3A_192] : memref<16384xf32, #tpu.memory_space<vmem>>[vector<16xi32>], vector<16xf32>,
            %parallel_loop3A_198 = arith.constant 128 : i32
            %parallel_loop3A_199 = arith.muli %add3A_183, %parallel_loop3A_198 : i32
            %parallel_loop3A_200 = arith.addi %parallel_loop3A_199, %parallel_loop3A_190 : i32
            %parallel_loop3A_201 = arith.constant 0 : i32
            %parallel_loop3A_202 = arith.index_cast %parallel_loop3A_201 : i32 to index
            %parallel_loop3A_203 = arith.index_cast %parallel_loop3A_200 : i32 to index
            %parallel_loop3A_204 = arith.constant 0 : index
            %parallel_loop3A_205 = tpu.vector_load %arg5[%parallel_loop3A_202, %parallel_loop3A_203, %parallel_loop3A_204] {strides = array<i32>} : memref<2x1024x16xf32, #tpu.memory_space<vmem>>, vector<16xf32>,
            tpu.vector_store %arg5[%parallel_loop3A_202, %parallel_loop3A_203, %parallel_loop3A_204], %parallel_loop3A_197 {strides = array<i32>} : memref<2x1024x16xf32, #tpu.memory_space<vmem>>, vector<16xf32>,
          } {sc.loop_unroll_factor = 8 : i64, sc.parallel_access}
        }
        %scan3A_157 = arith.constant 8 : i32
        %mul3A_158 = arith.constant 1024 : i32
        %mul3A_159 = arith.muli %add3A_105, %mul3A_158 : i32
        %dma_start3A = arith.constant 0 : i32
        %dma_start3A_160 = arith.constant 0 : i32
        %dma_start3A_161 = arith.constant 0 : i32
        %dma_start3A_162 = tpu.memref_slice %arg5[%dma_start3A, %dma_start3A_160, %dma_start3A_161] : memref<2x1024x16xf32, #tpu.memory_space<vmem>> -> memref<1x1024x16xf32, #tpu.memory_space<vmem>>
        %dma_start3A_163 = tpu.memref_squeeze %dma_start3A_162 : memref<1x1024x16xf32, #tpu.memory_space<vmem>> -> memref<1024x16xf32, #tpu.memory_space<vmem>>
        %dma_start3A_164 = arith.constant 0 : i32
        %dma_start3A_165 = tpu.memref_slice %arg3[%mul3A_159, %dma_start3A_164] : memref<3200000x16xf32, #tpu.memory_space<hbm>> -> memref<1024x16xf32, #tpu.memory_space<hbm>>
        %dma_start3A_166 = arith.constant 0 : i32
        %dma_start3A_167 = tpu.memref_slice %arg3[%mul3A_159, %dma_start3A_166] : memref<3200000x16xf32, #tpu.memory_space<hbm>> -> memref<1024x16xf32, #tpu.memory_space<hbm>>
        %dma_start3A_168 = arith.constant 0 : i32
        %dma_start3A_169 = arith.constant 0 : i32
        %dma_start3A_170 = tpu.memref_slice %arg5[%dma_start3A, %dma_start3A_168, %dma_start3A_169] : memref<2x1024x16xf32, #tpu.memory_space<vmem>> -> memref<1x1024x16xf32, #tpu.memory_space<vmem>>
        %dma_start3A_171 = tpu.memref_squeeze %dma_start3A_170 : memref<1x1024x16xf32, #tpu.memory_space<vmem>> -> memref<1024x16xf32, #tpu.memory_space<vmem>>
        tpu.enqueue_dma source(%dma_start3A_171 : memref<1024x16xf32, #tpu.memory_space<vmem>>) target(%dma_start3A_167 : memref<1024x16xf32, #tpu.memory_space<hbm>>) target_semaphore(%arg8 : memref<!tpu.dma_semaphore, #tpu.memory_space<semaphore_mem>>)
        %add3A_172 = arith.constant 64 : i32
        %add3A_173 = arith.addi %add3A_105, %add3A_172 : i32
        %lt3A_174 = arith.constant 3125 : i32
        %lt3A_175 = arith.cmpi slt, %add3A_173, %lt3A_174 : i32
        %convert_element_type3A_176 = arith.extui %lt3A_175 : i1 to i32
        %cond3A_177 = arith.constant 0 : i32
        %cond3A_178 = arith.cmpi ne, %convert_element_type3A_176, %cond3A_177 : i32
        scf.if %cond3A_178 {
          %mul3A_179 = arith.constant 8192 : i32
          %mul3A_180 = arith.muli %add3A_173, %mul3A_179 : i32
          %dma_start3A_181 = arith.constant 0 : i32
          %dma_start3A_182 = arith.constant 0 : i32
          %dma_start3A_183 = arith.constant 0 : i32
          %dma_start3A_184 = tpu.memref_slice %arg4[%dma_start3A_182, %dma_start3A_183] : memref<2x16384xf32, #tpu.memory_space<vmem>> -> memref<1x8192xf32, #tpu.memory_space<vmem>>
          %dma_start3A_185 = tpu.memref_squeeze %dma_start3A_184 : memref<1x8192xf32, #tpu.memory_space<vmem>> -> memref<8192xf32, #tpu.memory_space<vmem>>
          %dma_start3A_186 = tpu.memref_slice %arg2[%dma_start3A_181, %mul3A_180] : memref<2x25600000xf32, #tpu.memory_space<hbm>> -> memref<1x8192xf32, #tpu.memory_space<hbm>>
          %dma_start3A_187 = tpu.memref_squeeze %dma_start3A_186 : memref<1x8192xf32, #tpu.memory_space<hbm>> -> memref<8192xf32, #tpu.memory_space<hbm>>
          %dma_start3A_188 = arith.constant 0 : i32
          %dma_start3A_189 = tpu.memref_slice %arg4[%dma_start3A_182, %dma_start3A_188] : memref<2x16384xf32, #tpu.memory_space<vmem>> -> memref<1x8192xf32, #tpu.memory_space<vmem>>
          %dma_start3A_190 = tpu.memref_squeeze %dma_start3A_189 : memref<1x8192xf32, #tpu.memory_space<vmem>> -> memref<8192xf32, #tpu.memory_space<vmem>>
          %dma_start3A_191 = tpu.memref_slice %arg2[%dma_start3A_181, %mul3A_180] : memref<2x25600000xf32, #tpu.memory_space<hbm>> -> memref<1x8192xf32, #tpu.memory_space<hbm>>
          %dma_start3A_192 = tpu.memref_squeeze %dma_start3A_191 : memref<1x8192xf32, #tpu.memory_space<hbm>> -> memref<8192xf32, #tpu.memory_space<hbm>>
          tpu.enqueue_dma source(%dma_start3A_192 : memref<8192xf32, #tpu.memory_space<hbm>>) target(%dma_start3A_190 : memref<8192xf32, #tpu.memory_space<vmem>>) target_semaphore(%arg6 : memref<!tpu.dma_semaphore, #tpu.memory_space<semaphore_mem>>)
          %mul3A_193 = arith.constant 8192 : i32
          %mul3A_194 = arith.muli %add3A_173, %mul3A_193 : i32
          %dma_start3A_195 = arith.constant 1 : i32
          %dma_start3A_196 = arith.constant 0 : i32
          %dma_start3A_197 = arith.constant 8192 : i32
          %dma_start3A_198 = tpu.memref_slice %arg4[%dma_start3A_196, %dma_start3A_197] : memref<2x16384xf32, #tpu.memory_space<vmem>> -> memref<1x8192xf32, #tpu.memory_space<vmem>>
          %dma_start3A_199 = tpu.memref_squeeze %dma_start3A_198 : memref<1x8192xf32, #tpu.memory_space<vmem>> -> memref<8192xf32, #tpu.memory_space<vmem>>
          %dma_start3A_200 = tpu.memref_slice %arg2[%dma_start3A_195, %mul3A_194] : memref<2x25600000xf32, #tpu.memory_space<hbm>> -> memref<1x8192xf32, #tpu.memory_space<hbm>>
          %dma_start3A_201 = tpu.memref_squeeze %dma_start3A_200 : memref<1x8192xf32, #tpu.memory_space<hbm>> -> memref<8192xf32, #tpu.memory_space<hbm>>
          %dma_start3A_202 = arith.constant 8192 : i32
          %dma_start3A_203 = tpu.memref_slice %arg4[%dma_start3A_196, %dma_start3A_202] : memref<2x16384xf32, #tpu.memory_space<vmem>> -> memref<1x8192xf32, #tpu.memory_space<vmem>>
          %dma_start3A_204 = tpu.memref_squeeze %dma_start3A_203 : memref<1x8192xf32, #tpu.memory_space<vmem>> -> memref<8192xf32, #tpu.memory_space<vmem>>
          %dma_start3A_205 = tpu.memref_slice %arg2[%dma_start3A_195, %mul3A_194] : memref<2x25600000xf32, #tpu.memory_space<hbm>> -> memref<1x8192xf32, #tpu.memory_space<hbm>>
          %dma_start3A_206 = tpu.memref_squeeze %dma_start3A_205 : memref<1x8192xf32, #tpu.memory_space<hbm>> -> memref<8192xf32, #tpu.memory_space<hbm>>
          tpu.enqueue_dma source(%dma_start3A_206 : memref<8192xf32, #tpu.memory_space<hbm>>) target(%dma_start3A_204 : memref<8192xf32, #tpu.memory_space<vmem>>) target_semaphore(%arg6 : memref<!tpu.dma_semaphore, #tpu.memory_space<semaphore_mem>>)
        } else {
        }
      } else {
      }
      %add3A_111 = arith.constant 1 : i32
      %add3A_112 = arith.addi %add3A_100, %add3A_111 : i32
      %mul3A_113 = arith.constant 32 : i32
      %mul3A_114 = arith.muli %add3A_112, %mul3A_113 : i32
      %add3A_115 = arith.addi %add3A, %mul3A_114 : i32
      %lt3A_116 = arith.constant 3125 : i32
      %lt3A_117 = arith.cmpi slt, %add3A_115, %lt3A_116 : i32
      %convert_element_type3A_118 = arith.extui %lt3A_117 : i1 to i32
      %cond3A_119 = arith.constant 0 : i32
      %cond3A_120 = arith.cmpi ne, %convert_element_type3A_118, %cond3A_119 : i32
      scf.if %cond3A_120 {
        %dma_wait3A_121 = arith.constant 0 : i32
        %dma_wait3A_122 = arith.constant 1 : i32
        %dma_wait3A_123 = arith.constant 0 : i32
        %dma_wait3A_124 = tpu.memref_slice %arg4[%dma_wait3A_122, %dma_wait3A_123] : memref<2x16384xf32, #tpu.memory_space<vmem>> -> memref<1x8192xf32, #tpu.memory_space<vmem>>
        %dma_wait3A_125 = tpu.memref_squeeze %dma_wait3A_124 : memref<1x8192xf32, #tpu.memory_space<vmem>> -> memref<8192xf32, #tpu.memory_space<vmem>>
        %dma_wait3A_126 = arith.constant 0 : i32
        %dma_wait3A_127 = tpu.memref_slice %arg2[%dma_wait3A_121, %dma_wait3A_126] : memref<2x25600000xf32, #tpu.memory_space<hbm>> -> memref<1x8192xf32, #tpu.memory_space<hbm>>
        %dma_wait3A_128 = tpu.memref_squeeze %dma_wait3A_127 : memref<1x8192xf32, #tpu.memory_space<hbm>> -> memref<8192xf32, #tpu.memory_space<hbm>>
        %dma_wait3A_129 = arith.constant 0 : i32
        %dma_wait3A_130 = tpu.memref_slice %arg4[%dma_wait3A_122, %dma_wait3A_129] : memref<2x16384xf32, #tpu.memory_space<vmem>> -> memref<1x8192xf32, #tpu.memory_space<vmem>>
        %dma_wait3A_131 = tpu.memref_squeeze %dma_wait3A_130 : memref<1x8192xf32, #tpu.memory_space<vmem>> -> memref<8192xf32, #tpu.memory_space<vmem>>
        %dma_wait3A_132 = arith.constant 0 : i32
        %dma_wait3A_133 = tpu.memref_slice %arg2[%dma_wait3A_121, %dma_wait3A_132] : memref<2x25600000xf32, #tpu.memory_space<hbm>> -> memref<1x8192xf32, #tpu.memory_space<hbm>>
        %dma_wait3A_134 = tpu.memref_squeeze %dma_wait3A_133 : memref<1x8192xf32, #tpu.memory_space<hbm>> -> memref<8192xf32, #tpu.memory_space<hbm>>
        tpu.wait_dma2 semaphore(%arg7 : memref<!tpu.dma_semaphore, #tpu.memory_space<semaphore_mem>>) src(%dma_wait3A_134 : memref<8192xf32, #tpu.memory_space<hbm>>) dst(%dma_wait3A_131 : memref<8192xf32, #tpu.memory_space<vmem>>)
        %dma_wait3A_135 = arith.constant 1 : i32
        %dma_wait3A_136 = arith.constant 1 : i32
        %dma_wait3A_137 = arith.constant 8192 : i32
        %dma_wait3A_138 = tpu.memref_slice %arg4[%dma_wait3A_136, %dma_wait3A_137] : memref<2x16384xf32, #tpu.memory_space<vmem>> -> memref<1x8192xf32, #tpu.memory_space<vmem>>
        %dma_wait3A_139 = tpu.memref_squeeze %dma_wait3A_138 : memref<1x8192xf32, #tpu.memory_space<vmem>> -> memref<8192xf32, #tpu.memory_space<vmem>>
        %dma_wait3A_140 = arith.constant 0 : i32
        %dma_wait3A_141 = tpu.memref_slice %arg2[%dma_wait3A_135, %dma_wait3A_140] : memref<2x25600000xf32, #tpu.memory_space<hbm>> -> memref<1x8192xf32, #tpu.memory_space<hbm>>
        %dma_wait3A_142 = tpu.memref_squeeze %dma_wait3A_141 : memref<1x8192xf32, #tpu.memory_space<hbm>> -> memref<8192xf32, #tpu.memory_space<hbm>>
        %dma_wait3A_143 = arith.constant 8192 : i32
        %dma_wait3A_144 = tpu.memref_slice %arg4[%dma_wait3A_136, %dma_wait3A_143] : memref<2x16384xf32, #tpu.memory_space<vmem>> -> memref<1x8192xf32, #tpu.memory_space<vmem>>
        %dma_wait3A_145 = tpu.memref_squeeze %dma_wait3A_144 : memref<1x8192xf32, #tpu.memory_space<vmem>> -> memref<8192xf32, #tpu.memory_space<vmem>>
        %dma_wait3A_146 = arith.constant 0 : i32
        %dma_wait3A_147 = tpu.memref_slice %arg2[%dma_wait3A_135, %dma_wait3A_146] : memref<2x25600000xf32, #tpu.memory_space<hbm>> -> memref<1x8192xf32, #tpu.memory_space<hbm>>
        %dma_wait3A_148 = tpu.memref_squeeze %dma_wait3A_147 : memref<1x8192xf32, #tpu.memory_space<hbm>> -> memref<8192xf32, #tpu.memory_space<hbm>>
        tpu.wait_dma2 semaphore(%arg7 : memref<!tpu.dma_semaphore, #tpu.memory_space<semaphore_mem>>) src(%dma_wait3A_148 : memref<8192xf32, #tpu.memory_space<hbm>>) dst(%dma_wait3A_145 : memref<8192xf32, #tpu.memory_space<vmem>>)
        %ge3A = arith.constant 2 : i32
        %ge3A_149 = arith.cmpi sge, %add3A_112, %ge3A : i32
        %convert_element_type3A_150 = arith.extui %ge3A_149 : i1 to i32
        %cond3A_151 = arith.constant 0 : i32
        %cond3A_152 = arith.cmpi ne, %convert_element_type3A_150, %cond3A_151 : i32
        scf.if %cond3A_152 {
          %dma_wait3A_179 = arith.constant 1 : i32
          %dma_wait3A_180 = arith.constant 0 : i32
          %dma_wait3A_181 = arith.constant 0 : i32
          %dma_wait3A_182 = tpu.memref_slice %arg5[%dma_wait3A_179, %dma_wait3A_180, %dma_wait3A_181] : memref<2x1024x16xf32, #tpu.memory_space<vmem>> -> memref<1x1024x16xf32, #tpu.memory_space<vmem>>
          %dma_wait3A_183 = tpu.memref_squeeze %dma_wait3A_182 : memref<1x1024x16xf32, #tpu.memory_space<vmem>> -> memref<1024x16xf32, #tpu.memory_space<vmem>>
          %dma_wait3A_184 = arith.constant 0 : i32
          %dma_wait3A_185 = arith.constant 0 : i32
          %dma_wait3A_186 = tpu.memref_slice %arg3[%dma_wait3A_184, %dma_wait3A_185] : memref<3200000x16xf32, #tpu.memory_space<hbm>> -> memref<1024x16xf32, #tpu.memory_space<hbm>>
          %dma_wait3A_187 = arith.constant 0 : i32
          %dma_wait3A_188 = arith.constant 0 : i32
          %dma_wait3A_189 = tpu.memref_slice %arg3[%dma_wait3A_187, %dma_wait3A_188] : memref<3200000x16xf32, #tpu.memory_space<hbm>> -> memref<1024x16xf32, #tpu.memory_space<hbm>>
          %dma_wait3A_190 = arith.constant 0 : i32
          %dma_wait3A_191 = arith.constant 0 : i32
          %dma_wait3A_192 = tpu.memref_slice %arg5[%dma_wait3A_179, %dma_wait3A_190, %dma_wait3A_191] : memref<2x1024x16xf32, #tpu.memory_space<vmem>> -> memref<1x1024x16xf32, #tpu.memory_space<vmem>>
          %dma_wait3A_193 = tpu.memref_squeeze %dma_wait3A_192 : memref<1x1024x16xf32, #tpu.memory_space<vmem>> -> memref<1024x16xf32, #tpu.memory_space<vmem>>
          tpu.wait_dma2 semaphore(%arg9 : memref<!tpu.dma_semaphore, #tpu.memory_space<semaphore_mem>>) src(%dma_wait3A_193 : memref<1024x16xf32, #tpu.memory_space<vmem>>) dst(%dma_wait3A_189 : memref<1024x16xf32, #tpu.memory_space<hbm>>)
        } else {
        }
        %scan3A_153 = arith.constant 0 : i32
        %scan3A_154 = arith.constant 8 : i32
        %scan3A_155 = arith.addi %scan3A_153, %scan3A_154 : i32
        %scan3A_156 = arith.constant 1 : i32
        scf.for %scan3A_179 = %scan3A_153 to %scan3A_155 step %scan3A_156  : i32 {
          %mul3A_180 = arith.constant 1 : i32
          %mul3A_181 = arith.muli %scan3A_179, %mul3A_180 : i32
          %add3A_182 = arith.constant 0 : i32
          %add3A_183 = arith.addi %add3A_182, %mul3A_181 : i32
          %mul3A_184 = arith.constant 1024 : i32
          %mul3A_185 = arith.muli %add3A_183, %mul3A_184 : i32
          %add3A_186 = vector.broadcast %mul3A_185 : i32 to vector<16xi32>
          %add3A_187 = arith.addi %add3A_50, %add3A_186 : vector<16xi32>
          %parallel_loop3A = arith.constant 0 : i32
          %parallel_loop3A_188 = arith.constant 128 : i32
          %parallel_loop3A_189 = arith.constant 1 : i32
          scf.for %parallel_loop3A_190 = %parallel_loop3A to %parallel_loop3A_188 step %parallel_loop3A_189  : i32 {
            %parallel_loop3A_191 = vector.broadcast %parallel_loop3A_190 : i32 to vector<16xi32>
            %parallel_loop3A_192 = arith.addi %add3A_187, %parallel_loop3A_191 : vector<16xi32>
            %parallel_loop3A_193 = arith.constant 1 : i32
            %parallel_loop3A_194 = arith.constant 0 : i32
            %parallel_loop3A_195 = tpu.memref_slice %arg4[%parallel_loop3A_193, %parallel_loop3A_194] : memref<2x16384xf32, #tpu.memory_space<vmem>> -> memref<1x16384xf32, #tpu.memory_space<vmem>>
            %parallel_loop3A_196 = tpu.memref_squeeze %parallel_loop3A_195 : memref<1x16384xf32, #tpu.memory_space<vmem>> -> memref<16384xf32, #tpu.memory_space<vmem>>
            %parallel_loop3A_197 = tpu.vector_load_idx %parallel_loop3A_196[%parallel_loop3A_192] : memref<16384xf32, #tpu.memory_space<vmem>>[vector<16xi32>], vector<16xf32>,
            %parallel_loop3A_198 = arith.constant 128 : i32
            %parallel_loop3A_199 = arith.muli %add3A_183, %parallel_loop3A_198 : i32
            %parallel_loop3A_200 = arith.addi %parallel_loop3A_199, %parallel_loop3A_190 : i32
            %parallel_loop3A_201 = arith.constant 1 : i32
            %parallel_loop3A_202 = arith.index_cast %parallel_loop3A_201 : i32 to index
            %parallel_loop3A_203 = arith.index_cast %parallel_loop3A_200 : i32 to index
            %parallel_loop3A_204 = arith.constant 0 : index
            %parallel_loop3A_205 = tpu.vector_load %arg5[%parallel_loop3A_202, %parallel_loop3A_203, %parallel_loop3A_204] {strides = array<i32>} : memref<2x1024x16xf32, #tpu.memory_space<vmem>>, vector<16xf32>,
            tpu.vector_store %arg5[%parallel_loop3A_202, %parallel_loop3A_203, %parallel_loop3A_204], %parallel_loop3A_197 {strides = array<i32>} : memref<2x1024x16xf32, #tpu.memory_space<vmem>>, vector<16xf32>,
          } {sc.loop_unroll_factor = 8 : i64, sc.parallel_access}
        }
        %scan3A_157 = arith.constant 8 : i32
        %mul3A_158 = arith.constant 1024 : i32
        %mul3A_159 = arith.muli %add3A_115, %mul3A_158 : i32
        %dma_start3A = arith.constant 1 : i32
        %dma_start3A_160 = arith.constant 0 : i32
        %dma_start3A_161 = arith.constant 0 : i32
        %dma_start3A_162 = tpu.memref_slice %arg5[%dma_start3A, %dma_start3A_160, %dma_start3A_161] : memref<2x1024x16xf32, #tpu.memory_space<vmem>> -> memref<1x1024x16xf32, #tpu.memory_space<vmem>>
        %dma_start3A_163 = tpu.memref_squeeze %dma_start3A_162 : memref<1x1024x16xf32, #tpu.memory_space<vmem>> -> memref<1024x16xf32, #tpu.memory_space<vmem>>
        %dma_start3A_164 = arith.constant 0 : i32
        %dma_start3A_165 = tpu.memref_slice %arg3[%mul3A_159, %dma_start3A_164] : memref<3200000x16xf32, #tpu.memory_space<hbm>> -> memref<1024x16xf32, #tpu.memory_space<hbm>>
        %dma_start3A_166 = arith.constant 0 : i32
        %dma_start3A_167 = tpu.memref_slice %arg3[%mul3A_159, %dma_start3A_166] : memref<3200000x16xf32, #tpu.memory_space<hbm>> -> memref<1024x16xf32, #tpu.memory_space<hbm>>
        %dma_start3A_168 = arith.constant 0 : i32
        %dma_start3A_169 = arith.constant 0 : i32
        %dma_start3A_170 = tpu.memref_slice %arg5[%dma_start3A, %dma_start3A_168, %dma_start3A_169] : memref<2x1024x16xf32, #tpu.memory_space<vmem>> -> memref<1x1024x16xf32, #tpu.memory_space<vmem>>
        %dma_start3A_171 = tpu.memref_squeeze %dma_start3A_170 : memref<1x1024x16xf32, #tpu.memory_space<vmem>> -> memref<1024x16xf32, #tpu.memory_space<vmem>>
        tpu.enqueue_dma source(%dma_start3A_171 : memref<1024x16xf32, #tpu.memory_space<vmem>>) target(%dma_start3A_167 : memref<1024x16xf32, #tpu.memory_space<hbm>>) target_semaphore(%arg9 : memref<!tpu.dma_semaphore, #tpu.memory_space<semaphore_mem>>)
        %add3A_172 = arith.constant 64 : i32
        %add3A_173 = arith.addi %add3A_115, %add3A_172 : i32
        %lt3A_174 = arith.constant 3125 : i32
        %lt3A_175 = arith.cmpi slt, %add3A_173, %lt3A_174 : i32
        %convert_element_type3A_176 = arith.extui %lt3A_175 : i1 to i32
        %cond3A_177 = arith.constant 0 : i32
        %cond3A_178 = arith.cmpi ne, %convert_element_type3A_176, %cond3A_177 : i32
        scf.if %cond3A_178 {
          %mul3A_179 = arith.constant 8192 : i32
          %mul3A_180 = arith.muli %add3A_173, %mul3A_179 : i32
          %dma_start3A_181 = arith.constant 0 : i32
          %dma_start3A_182 = arith.constant 1 : i32
          %dma_start3A_183 = arith.constant 0 : i32
          %dma_start3A_184 = tpu.memref_slice %arg4[%dma_start3A_182, %dma_start3A_183] : memref<2x16384xf32, #tpu.memory_space<vmem>> -> memref<1x8192xf32, #tpu.memory_space<vmem>>
          %dma_start3A_185 = tpu.memref_squeeze %dma_start3A_184 : memref<1x8192xf32, #tpu.memory_space<vmem>> -> memref<8192xf32, #tpu.memory_space<vmem>>
          %dma_start3A_186 = tpu.memref_slice %arg2[%dma_start3A_181, %mul3A_180] : memref<2x25600000xf32, #tpu.memory_space<hbm>> -> memref<1x8192xf32, #tpu.memory_space<hbm>>
          %dma_start3A_187 = tpu.memref_squeeze %dma_start3A_186 : memref<1x8192xf32, #tpu.memory_space<hbm>> -> memref<8192xf32, #tpu.memory_space<hbm>>
          %dma_start3A_188 = arith.constant 0 : i32
          %dma_start3A_189 = tpu.memref_slice %arg4[%dma_start3A_182, %dma_start3A_188] : memref<2x16384xf32, #tpu.memory_space<vmem>> -> memref<1x8192xf32, #tpu.memory_space<vmem>>
          %dma_start3A_190 = tpu.memref_squeeze %dma_start3A_189 : memref<1x8192xf32, #tpu.memory_space<vmem>> -> memref<8192xf32, #tpu.memory_space<vmem>>
          %dma_start3A_191 = tpu.memref_slice %arg2[%dma_start3A_181, %mul3A_180] : memref<2x25600000xf32, #tpu.memory_space<hbm>> -> memref<1x8192xf32, #tpu.memory_space<hbm>>
          %dma_start3A_192 = tpu.memref_squeeze %dma_start3A_191 : memref<1x8192xf32, #tpu.memory_space<hbm>> -> memref<8192xf32, #tpu.memory_space<hbm>>
          tpu.enqueue_dma source(%dma_start3A_192 : memref<8192xf32, #tpu.memory_space<hbm>>) target(%dma_start3A_190 : memref<8192xf32, #tpu.memory_space<vmem>>) target_semaphore(%arg7 : memref<!tpu.dma_semaphore, #tpu.memory_space<semaphore_mem>>)
          %mul3A_193 = arith.constant 8192 : i32
          %mul3A_194 = arith.muli %add3A_173, %mul3A_193 : i32
          %dma_start3A_195 = arith.constant 1 : i32
          %dma_start3A_196 = arith.constant 1 : i32
          %dma_start3A_197 = arith.constant 8192 : i32
          %dma_start3A_198 = tpu.memref_slice %arg4[%dma_start3A_196, %dma_start3A_197] : memref<2x16384xf32, #tpu.memory_space<vmem>> -> memref<1x8192xf32, #tpu.memory_space<vmem>>
          %dma_start3A_199 = tpu.memref_squeeze %dma_start3A_198 : memref<1x8192xf32, #tpu.memory_space<vmem>> -> memref<8192xf32, #tpu.memory_space<vmem>>
          %dma_start3A_200 = tpu.memref_slice %arg2[%dma_start3A_195, %mul3A_194] : memref<2x25600000xf32, #tpu.memory_space<hbm>> -> memref<1x8192xf32, #tpu.memory_space<hbm>>
          %dma_start3A_201 = tpu.memref_squeeze %dma_start3A_200 : memref<1x8192xf32, #tpu.memory_space<hbm>> -> memref<8192xf32, #tpu.memory_space<hbm>>
          %dma_start3A_202 = arith.constant 8192 : i32
          %dma_start3A_203 = tpu.memref_slice %arg4[%dma_start3A_196, %dma_start3A_202] : memref<2x16384xf32, #tpu.memory_space<vmem>> -> memref<1x8192xf32, #tpu.memory_space<vmem>>
          %dma_start3A_204 = tpu.memref_squeeze %dma_start3A_203 : memref<1x8192xf32, #tpu.memory_space<vmem>> -> memref<8192xf32, #tpu.memory_space<vmem>>
          %dma_start3A_205 = tpu.memref_slice %arg2[%dma_start3A_195, %mul3A_194] : memref<2x25600000xf32, #tpu.memory_space<hbm>> -> memref<1x8192xf32, #tpu.memory_space<hbm>>
          %dma_start3A_206 = tpu.memref_squeeze %dma_start3A_205 : memref<1x8192xf32, #tpu.memory_space<hbm>> -> memref<8192xf32, #tpu.memory_space<hbm>>
          tpu.enqueue_dma source(%dma_start3A_206 : memref<8192xf32, #tpu.memory_space<hbm>>) target(%dma_start3A_204 : memref<8192xf32, #tpu.memory_space<vmem>>) target_semaphore(%arg7 : memref<!tpu.dma_semaphore, #tpu.memory_space<semaphore_mem>>)
        } else {
        }
      } else {
      }
    }
    %scan3A_66 = arith.constant 50 : i32
    %dma_wait3A = arith.constant 0 : i32
    %dma_wait3A_67 = arith.constant 0 : i32
    %dma_wait3A_68 = arith.constant 0 : i32
    %dma_wait3A_69 = tpu.memref_slice %arg5[%dma_wait3A, %dma_wait3A_67, %dma_wait3A_68] : memref<2x1024x16xf32, #tpu.memory_space<vmem>> -> memref<1x1024x16xf32, #tpu.memory_space<vmem>>
    %dma_wait3A_70 = tpu.memref_squeeze %dma_wait3A_69 : memref<1x1024x16xf32, #tpu.memory_space<vmem>> -> memref<1024x16xf32, #tpu.memory_space<vmem>>
    %dma_wait3A_71 = arith.constant 0 : i32
    %dma_wait3A_72 = arith.constant 0 : i32
    %dma_wait3A_73 = tpu.memref_slice %arg3[%dma_wait3A_71, %dma_wait3A_72] : memref<3200000x16xf32, #tpu.memory_space<hbm>> -> memref<1024x16xf32, #tpu.memory_space<hbm>>
    %dma_wait3A_74 = arith.constant 0 : i32
    %dma_wait3A_75 = arith.constant 0 : i32
    %dma_wait3A_76 = tpu.memref_slice %arg3[%dma_wait3A_74, %dma_wait3A_75] : memref<3200000x16xf32, #tpu.memory_space<hbm>> -> memref<1024x16xf32, #tpu.memory_space<hbm>>
    %dma_wait3A_77 = arith.constant 0 : i32
    %dma_wait3A_78 = arith.constant 0 : i32
    %dma_wait3A_79 = tpu.memref_slice %arg5[%dma_wait3A, %dma_wait3A_77, %dma_wait3A_78] : memref<2x1024x16xf32, #tpu.memory_space<vmem>> -> memref<1x1024x16xf32, #tpu.memory_space<vmem>>
    %dma_wait3A_80 = tpu.memref_squeeze %dma_wait3A_79 : memref<1x1024x16xf32, #tpu.memory_space<vmem>> -> memref<1024x16xf32, #tpu.memory_space<vmem>>
    tpu.wait_dma2 semaphore(%arg8 : memref<!tpu.dma_semaphore, #tpu.memory_space<semaphore_mem>>) src(%dma_wait3A_80 : memref<1024x16xf32, #tpu.memory_space<vmem>>) dst(%dma_wait3A_76 : memref<1024x16xf32, #tpu.memory_space<hbm>>)
    %dma_wait3A_81 = arith.constant 1 : i32
    %dma_wait3A_82 = arith.constant 0 : i32
    %dma_wait3A_83 = arith.constant 0 : i32
    %dma_wait3A_84 = tpu.memref_slice %arg5[%dma_wait3A_81, %dma_wait3A_82, %dma_wait3A_83] : memref<2x1024x16xf32, #tpu.memory_space<vmem>> -> memref<1x1024x16xf32, #tpu.memory_space<vmem>>
    %dma_wait3A_85 = tpu.memref_squeeze %dma_wait3A_84 : memref<1x1024x16xf32, #tpu.memory_space<vmem>> -> memref<1024x16xf32, #tpu.memory_space<vmem>>
    %dma_wait3A_86 = arith.constant 0 : i32
    %dma_wait3A_87 = arith.constant 0 : i32
    %dma_wait3A_88 = tpu.memref_slice %arg3[%dma_wait3A_86, %dma_wait3A_87] : memref<3200000x16xf32, #tpu.memory_space<hbm>> -> memref<1024x16xf32, #tpu.memory_space<hbm>>
    %dma_wait3A_89 = arith.constant 0 : i32
    %dma_wait3A_90 = arith.constant 0 : i32
    %dma_wait3A_91 = tpu.memref_slice %arg3[%dma_wait3A_89, %dma_wait3A_90] : memref<3200000x16xf32, #tpu.memory_space<hbm>> -> memref<1024x16xf32, #tpu.memory_space<hbm>>
    %dma_wait3A_92 = arith.constant 0 : i32
    %dma_wait3A_93 = arith.constant 0 : i32
    %dma_wait3A_94 = tpu.memref_slice %arg5[%dma_wait3A_81, %dma_wait3A_92, %dma_wait3A_93] : memref<2x1024x16xf32, #tpu.memory_space<vmem>> -> memref<1x1024x16xf32, #tpu.memory_space<vmem>>
    %dma_wait3A_95 = tpu.memref_squeeze %dma_wait3A_94 : memref<1x1024x16xf32, #tpu.memory_space<vmem>> -> memref<1024x16xf32, #tpu.memory_space<vmem>>
    tpu.wait_dma2 semaphore(%arg9 : memref<!tpu.dma_semaphore, #tpu.memory_space<semaphore_mem>>) src(%dma_wait3A_95 : memref<1024x16xf32, #tpu.memory_space<vmem>>) dst(%dma_wait3A_91 : memref<1024x16xf32, #tpu.memory_space<hbm>>)
    return
  }
}

#map = affine_map<(d0, d1) -> (0, 0)>
#map1 = affine_map<(d0, d1) -> (0)>
module attributes {stable_mosaic.version = 14 : i64} {
  func.func @gather(%arg0: i32, %arg1: i32, %arg2: memref<3200000x16xf32, #tpu.memory_space<hbm>>, %arg3: memref<3200000xi32, #tpu.memory_space<hbm>>, %arg4: memref<2x25600000xf32, #tpu.memory_space<hbm>>, %arg5: memref<2x1024xi32, #tpu.memory_space<vmem>>, %arg6: memref<2x1024x16xf32, #tpu.memory_space<vmem>>, %arg7: memref<2x16384xf32, #tpu.memory_space<vmem>>, %arg8: memref<!tpu.dma_semaphore, #tpu.memory_space<semaphore_mem>>, %arg9: memref<!tpu.dma_semaphore, #tpu.memory_space<semaphore_mem>>, %arg10: memref<!tpu.dma_semaphore, #tpu.memory_space<semaphore_mem>>, %arg11: memref<!tpu.dma_semaphore, #tpu.memory_space<semaphore_mem>>, %arg12: memref<!tpu.dma_semaphore, #tpu.memory_space<semaphore_mem>>, %arg13: memref<!tpu.dma_semaphore, #tpu.memory_space<semaphore_mem>>) attributes {dimension_semantics = [#tpu.dimension_semantics<core_parallel>, #tpu.dimension_semantics<subcore_parallel>], iteration_bounds = array<i64: 2, 16>, scalar_prefetch = 0 : i64, scratch_operands = 9 : i64, tpu.core_type = #tpu.core_type<sc_vector_subcore>, window_params = [{transform_indices = #map}, {transform_indices = #map1}, {transform_indices = #map}]} {
    %mul3A = arith.constant 2 : i32
    %mul3A_0 = arith.muli %arg1, %mul3A : i32
    %add3A = arith.addi %mul3A_0, %arg0 : i32
    %iota3A = tpu.iota {dimensions = array<i32: 0>} : vector<16xi32>
    %jit3A = arith.constant 8 : i32
    %div3A = vector.broadcast %jit3A : i32 to vector<16xi32>
    %div3A_1 = arith.divsi %iota3A, %div3A : vector<16xi32>
    %sign3A = arith.constant 0 : i32
    %sign3A_2 = vector.broadcast %sign3A : i32 to vector<16xi32>
    %sign3A_3 = arith.cmpi sgt, %iota3A, %sign3A_2 : vector<16xi32>
    %sign3A_4 = arith.extui %sign3A_3 : vector<16xi1> to vector<16xi32>
    %sign3A_5 = arith.constant 0 : i32
    %sign3A_6 = vector.broadcast %sign3A_5 : i32 to vector<16xi32>
    %sign3A_7 = arith.cmpi slt, %iota3A, %sign3A_6 : vector<16xi32>
    %sign3A_8 = arith.extui %sign3A_7 : vector<16xi1> to vector<16xi32>
    %sign3A_9 = arith.subi %sign3A_4, %sign3A_8 : vector<16xi32>
    %sign3A_10 = arith.constant 0 : i32
    %sign3A_11 = arith.cmpi sgt, %jit3A, %sign3A_10 : i32
    %sign3A_12 = arith.extui %sign3A_11 : i1 to i32
    %sign3A_13 = arith.constant 0 : i32
    %sign3A_14 = arith.cmpi slt, %jit3A, %sign3A_13 : i32
    %sign3A_15 = arith.extui %sign3A_14 : i1 to i32
    %sign3A_16 = arith.subi %sign3A_12, %sign3A_15 : i32
    %ne3A = vector.broadcast %sign3A_16 : i32 to vector<16xi32>
    %ne3A_17 = arith.cmpi ne, %sign3A_9, %ne3A : vector<16xi32>
    %rem3A = vector.broadcast %jit3A : i32 to vector<16xi32>
    %rem3A_18 = arith.remsi %iota3A, %rem3A : vector<16xi32>
    %ne3A_19 = arith.constant 0 : i32
    %ne3A_20 = vector.broadcast %ne3A_19 : i32 to vector<16xi32>
    %ne3A_21 = arith.cmpi ne, %rem3A_18, %ne3A_20 : vector<16xi32>
    %and3A = arith.andi %ne3A_17, %ne3A_21 : vector<16xi1>
    %sub3A = arith.constant 1 : i32
    %sub3A_22 = vector.broadcast %sub3A : i32 to vector<16xi32>
    %sub3A_23 = arith.subi %div3A_1, %sub3A_22 : vector<16xi32>
    %select_n3A = arith.select %and3A, %sub3A_23, %div3A_1 : vector<16xi1>, vector<16xi32>
    %mul3A_24 = arith.constant 8192 : i32
    %mul3A_25 = vector.broadcast %mul3A_24 : i32 to vector<16xi32>
    %mul3A_26 = arith.muli %select_n3A, %mul3A_25 : vector<16xi32>
    %jit3A_27 = arith.constant 8 : i32
    %eq3A = arith.constant 0 : i32
    %eq3A_28 = arith.cmpi eq, %jit3A_27, %eq3A : i32
    %jit3A_29 = arith.constant 1 : i32
    %select_n3A_30 = arith.select %eq3A_28, %jit3A_29, %jit3A_27 : i32
    %rem3A_31 = vector.broadcast %select_n3A_30 : i32 to vector<16xi32>
    %rem3A_32 = arith.remsi %iota3A, %rem3A_31 : vector<16xi32>
    %ne3A_33 = arith.constant 0 : i32
    %ne3A_34 = vector.broadcast %ne3A_33 : i32 to vector<16xi32>
    %ne3A_35 = arith.cmpi ne, %rem3A_32, %ne3A_34 : vector<16xi32>
    %lt3A = arith.constant 0 : i32
    %lt3A_36 = vector.broadcast %lt3A : i32 to vector<16xi32>
    %lt3A_37 = arith.cmpi slt, %rem3A_32, %lt3A_36 : vector<16xi32>
    %lt3A_38 = arith.constant 0 : i32
    %lt3A_39 = arith.cmpi slt, %select_n3A_30, %lt3A_38 : i32
    %ne3A_40 = vector.broadcast %lt3A_39 : i1 to vector<16xi1>
    %ne3A_41 = vector.broadcast %ne3A_40 : vector<16xi1> to vector<16xi1>
    %ne3A_42 = arith.xori %lt3A_37, %ne3A_41 : vector<16xi1>
    %and3A_43 = arith.andi %ne3A_42, %ne3A_35 : vector<16xi1>
    %add3A_44 = vector.broadcast %select_n3A_30 : i32 to vector<16xi32>
    %add3A_45 = arith.addi %rem3A_32, %add3A_44 : vector<16xi32>
    %select_n3A_46 = arith.select %and3A_43, %add3A_45, %rem3A_32 : vector<16xi1>, vector<16xi32>
    %mul3A_47 = arith.constant 128 : i32
    %mul3A_48 = vector.broadcast %mul3A_47 : i32 to vector<16xi32>
    %mul3A_49 = arith.muli %select_n3A_46, %mul3A_48 : vector<16xi32>
    %add3A_50 = arith.addi %mul3A_26, %mul3A_49 : vector<16xi32>
    %add3A_51 = arith.constant 0 : i32
    %add3A_52 = arith.addi %add3A, %add3A_51 : i32
    %lt3A_53 = arith.constant 3125 : i32
    %lt3A_54 = arith.cmpi slt, %add3A_52, %lt3A_53 : i32
    %convert_element_type3A = arith.extui %lt3A_54 : i1 to i32
    %cond3A = arith.constant 0 : i32
    %cond3A_55 = arith.cmpi ne, %convert_element_type3A, %cond3A : i32
    scf.if %cond3A_55 {
      %mul3A_122 = arith.constant 1024 : i32
      %mul3A_123 = arith.muli %add3A_52, %mul3A_122 : i32
      %dma_start3A = arith.constant 0 : i32
      %dma_start3A_124 = arith.constant 0 : i32
      %dma_start3A_125 = tpu.memref_slice %arg5[%dma_start3A, %dma_start3A_124] : memref<2x1024xi32, #tpu.memory_space<vmem>> -> memref<1x1024xi32, #tpu.memory_space<vmem>>
      %dma_start3A_126 = tpu.memref_squeeze %dma_start3A_125 : memref<1x1024xi32, #tpu.memory_space<vmem>> -> memref<1024xi32, #tpu.memory_space<vmem>>
      %dma_start3A_127 = tpu.memref_slice %arg3[%mul3A_123] : memref<3200000xi32, #tpu.memory_space<hbm>> -> memref<1024xi32, #tpu.memory_space<hbm>>
      %dma_start3A_128 = arith.constant 0 : i32
      %dma_start3A_129 = tpu.memref_slice %arg5[%dma_start3A, %dma_start3A_128] : memref<2x1024xi32, #tpu.memory_space<vmem>> -> memref<1x1024xi32, #tpu.memory_space<vmem>>
      %dma_start3A_130 = tpu.memref_squeeze %dma_start3A_129 : memref<1x1024xi32, #tpu.memory_space<vmem>> -> memref<1024xi32, #tpu.memory_space<vmem>>
      %dma_start3A_131 = tpu.memref_slice %arg3[%mul3A_123] : memref<3200000xi32, #tpu.memory_space<hbm>> -> memref<1024xi32, #tpu.memory_space<hbm>>
      tpu.enqueue_dma source(%dma_start3A_131 : memref<1024xi32, #tpu.memory_space<hbm>>) target(%dma_start3A_130 : memref<1024xi32, #tpu.memory_space<vmem>>) target_semaphore(%arg8 : memref<!tpu.dma_semaphore, #tpu.memory_space<semaphore_mem>>)
    } else {
    }
    %add3A_56 = arith.constant 32 : i32
    %add3A_57 = arith.addi %add3A, %add3A_56 : i32
    %lt3A_58 = arith.constant 3125 : i32
    %lt3A_59 = arith.cmpi slt, %add3A_57, %lt3A_58 : i32
    %convert_element_type3A_60 = arith.extui %lt3A_59 : i1 to i32
    %cond3A_61 = arith.constant 0 : i32
    %cond3A_62 = arith.cmpi ne, %convert_element_type3A_60, %cond3A_61 : i32
    scf.if %cond3A_62 {
      %mul3A_122 = arith.constant 1024 : i32
      %mul3A_123 = arith.muli %add3A_57, %mul3A_122 : i32
      %dma_start3A = arith.constant 1 : i32
      %dma_start3A_124 = arith.constant 0 : i32
      %dma_start3A_125 = tpu.memref_slice %arg5[%dma_start3A, %dma_start3A_124] : memref<2x1024xi32, #tpu.memory_space<vmem>> -> memref<1x1024xi32, #tpu.memory_space<vmem>>
      %dma_start3A_126 = tpu.memref_squeeze %dma_start3A_125 : memref<1x1024xi32, #tpu.memory_space<vmem>> -> memref<1024xi32, #tpu.memory_space<vmem>>
      %dma_start3A_127 = tpu.memref_slice %arg3[%mul3A_123] : memref<3200000xi32, #tpu.memory_space<hbm>> -> memref<1024xi32, #tpu.memory_space<hbm>>
      %dma_start3A_128 = arith.constant 0 : i32
      %dma_start3A_129 = tpu.memref_slice %arg5[%dma_start3A, %dma_start3A_128] : memref<2x1024xi32, #tpu.memory_space<vmem>> -> memref<1x1024xi32, #tpu.memory_space<vmem>>
      %dma_start3A_130 = tpu.memref_squeeze %dma_start3A_129 : memref<1x1024xi32, #tpu.memory_space<vmem>> -> memref<1024xi32, #tpu.memory_space<vmem>>
      %dma_start3A_131 = tpu.memref_slice %arg3[%mul3A_123] : memref<3200000xi32, #tpu.memory_space<hbm>> -> memref<1024xi32, #tpu.memory_space<hbm>>
      tpu.enqueue_dma source(%dma_start3A_131 : memref<1024xi32, #tpu.memory_space<hbm>>) target(%dma_start3A_130 : memref<1024xi32, #tpu.memory_space<vmem>>) target_semaphore(%arg9 : memref<!tpu.dma_semaphore, #tpu.memory_space<semaphore_mem>>)
    } else {
    }
    %scan3A = arith.constant 0 : i32
    %scan3A_63 = arith.constant 50 : i32
    %scan3A_64 = arith.addi %scan3A, %scan3A_63 : i32
    %scan3A_65 = arith.constant 1 : i32
    scf.for %scan3A_122 = %scan3A to %scan3A_64 step %scan3A_65  : i32 {
      %mul3A_123 = arith.constant 2 : i32
      %mul3A_124 = arith.muli %scan3A_122, %mul3A_123 : i32
      %add3A_125 = arith.constant 0 : i32
      %add3A_126 = arith.addi %add3A_125, %mul3A_124 : i32
      %add3A_127 = arith.constant 0 : i32
      %add3A_128 = arith.addi %add3A_126, %add3A_127 : i32
      %mul3A_129 = arith.constant 32 : i32
      %mul3A_130 = arith.muli %add3A_128, %mul3A_129 : i32
      %add3A_131 = arith.addi %add3A, %mul3A_130 : i32
      %lt3A_132 = arith.constant 3125 : i32
      %lt3A_133 = arith.cmpi slt, %add3A_131, %lt3A_132 : i32
      %convert_element_type3A_134 = arith.extui %lt3A_133 : i1 to i32
      %cond3A_135 = arith.constant 0 : i32
      %cond3A_136 = arith.cmpi ne, %convert_element_type3A_134, %cond3A_135 : i32
      scf.if %cond3A_136 {
        %dma_wait3A_172 = arith.constant 0 : i32
        %dma_wait3A_173 = arith.constant 0 : i32
        %dma_wait3A_174 = tpu.memref_slice %arg5[%dma_wait3A_172, %dma_wait3A_173] : memref<2x1024xi32, #tpu.memory_space<vmem>> -> memref<1x1024xi32, #tpu.memory_space<vmem>>
        %dma_wait3A_175 = tpu.memref_squeeze %dma_wait3A_174 : memref<1x1024xi32, #tpu.memory_space<vmem>> -> memref<1024xi32, #tpu.memory_space<vmem>>
        %dma_wait3A_176 = arith.constant 0 : i32
        %dma_wait3A_177 = tpu.memref_slice %arg3[%dma_wait3A_176] : memref<3200000xi32, #tpu.memory_space<hbm>> -> memref<1024xi32, #tpu.memory_space<hbm>>
        %dma_wait3A_178 = arith.constant 0 : i32
        %dma_wait3A_179 = tpu.memref_slice %arg5[%dma_wait3A_172, %dma_wait3A_178] : memref<2x1024xi32, #tpu.memory_space<vmem>> -> memref<1x1024xi32, #tpu.memory_space<vmem>>
        %dma_wait3A_180 = tpu.memref_squeeze %dma_wait3A_179 : memref<1x1024xi32, #tpu.memory_space<vmem>> -> memref<1024xi32, #tpu.memory_space<vmem>>
        %dma_wait3A_181 = arith.constant 0 : i32
        %dma_wait3A_182 = tpu.memref_slice %arg3[%dma_wait3A_181] : memref<3200000xi32, #tpu.memory_space<hbm>> -> memref<1024xi32, #tpu.memory_space<hbm>>
        tpu.wait_dma2 semaphore(%arg8 : memref<!tpu.dma_semaphore, #tpu.memory_space<semaphore_mem>>) src(%dma_wait3A_182 : memref<1024xi32, #tpu.memory_space<hbm>>) dst(%dma_wait3A_180 : memref<1024xi32, #tpu.memory_space<vmem>>)
        %dma_start3A = arith.constant 0 : i32
        %dma_start3A_183 = arith.constant 0 : i32
        %dma_start3A_184 = arith.constant 0 : i32
        %dma_start3A_185 = arith.constant 0 : i32
        %dma_start3A_186 = tpu.memref_slice %arg6[%dma_start3A_183, %dma_start3A_184, %dma_start3A_185] : memref<2x1024x16xf32, #tpu.memory_space<vmem>> -> memref<1x1024x16xf32, #tpu.memory_space<vmem>>
        %dma_start3A_187 = tpu.memref_squeeze %dma_start3A_186 : memref<1x1024x16xf32, #tpu.memory_space<vmem>> -> memref<1024x16xf32, #tpu.memory_space<vmem>>
        %dma_start3A_188 = arith.constant 0 : i32
        %dma_start3A_189 = tpu.memref_slice %arg5[%dma_start3A, %dma_start3A_188] : memref<2x1024xi32, #tpu.memory_space<vmem>> -> memref<1x1024xi32, #tpu.memory_space<vmem>>
        %dma_start3A_190 = tpu.memref_squeeze %dma_start3A_189 : memref<1x1024xi32, #tpu.memory_space<vmem>> -> memref<1024xi32, #tpu.memory_space<vmem>>
        %dma_start3A_191 = arith.constant 0 : i32
        %dma_start3A_192 = arith.constant 0 : i32
        %dma_start3A_193 = tpu.memref_slice %arg2[%dma_start3A_191, %dma_start3A_192] : memref<3200000x16xf32, #tpu.memory_space<hbm>> -> memref<3200000x16xf32, #tpu.memory_space<hbm>>
        tpu.enqueue_indirect_dma source(%dma_start3A_193 : memref<3200000x16xf32, #tpu.memory_space<hbm>>) target(%dma_start3A_187 : memref<1024x16xf32, #tpu.memory_space<vmem>>) offsets(%dma_start3A_190 : memref<1024xi32, #tpu.memory_space<vmem>>) semaphore(%arg10 : memref<!tpu.dma_semaphore, #tpu.memory_space<semaphore_mem>>)
      } else {
      }
      %sub3A_137 = arith.constant 1 : i32
      %sub3A_138 = arith.subi %add3A_128, %sub3A_137 : i32
      %mul3A_139 = arith.constant 32 : i32
      %mul3A_140 = arith.muli %sub3A_138, %mul3A_139 : i32
      %add3A_141 = arith.addi %add3A, %mul3A_140 : i32
      %ge3A = arith.constant 0 : i32
      %ge3A_142 = arith.cmpi sge, %sub3A_138, %ge3A : i32
      %lt3A_143 = arith.constant 3125 : i32
      %lt3A_144 = arith.cmpi slt, %add3A_141, %lt3A_143 : i32
      %and3A_145 = arith.andi %ge3A_142, %lt3A_144 : i1
      %convert_element_type3A_146 = arith.extui %and3A_145 : i1 to i32
      %cond3A_147 = arith.constant 0 : i32
      %cond3A_148 = arith.cmpi ne, %convert_element_type3A_146, %cond3A_147 : i32
      scf.if %cond3A_148 {
        %dma_wait3A_172 = arith.constant 1 : i32
        %dma_wait3A_173 = arith.constant 1 : i32
        %dma_wait3A_174 = arith.constant 0 : i32
        %dma_wait3A_175 = arith.constant 0 : i32
        %dma_wait3A_176 = tpu.memref_slice %arg6[%dma_wait3A_173, %dma_wait3A_174, %dma_wait3A_175] : memref<2x1024x16xf32, #tpu.memory_space<vmem>> -> memref<1x1024x16xf32, #tpu.memory_space<vmem>>
        %dma_wait3A_177 = tpu.memref_squeeze %dma_wait3A_176 : memref<1x1024x16xf32, #tpu.memory_space<vmem>> -> memref<1024x16xf32, #tpu.memory_space<vmem>>
        %dma_wait3A_178 = arith.constant 0 : i32
        %dma_wait3A_179 = tpu.memref_slice %arg5[%dma_wait3A_172, %dma_wait3A_178] : memref<2x1024xi32, #tpu.memory_space<vmem>> -> memref<1x1024xi32, #tpu.memory_space<vmem>>
        %dma_wait3A_180 = tpu.memref_squeeze %dma_wait3A_179 : memref<1x1024xi32, #tpu.memory_space<vmem>> -> memref<1024xi32, #tpu.memory_space<vmem>>
        %dma_wait3A_181 = arith.constant 0 : i32
        %dma_wait3A_182 = arith.constant 0 : i32
        %dma_wait3A_183 = tpu.memref_slice %arg2[%dma_wait3A_181, %dma_wait3A_182] : memref<3200000x16xf32, #tpu.memory_space<hbm>> -> memref<3200000x16xf32, #tpu.memory_space<hbm>>
        tpu.wait_indirect_dma semaphore(%arg11 : memref<!tpu.dma_semaphore, #tpu.memory_space<semaphore_mem>>) src(%dma_wait3A_183 : memref<3200000x16xf32, #tpu.memory_space<hbm>>) dst(%dma_wait3A_177 : memref<1024x16xf32, #tpu.memory_space<vmem>>)
        %add3A_184 = arith.constant 64 : i32
        %add3A_185 = arith.addi %add3A_141, %add3A_184 : i32
        %lt3A_186 = arith.constant 3125 : i32
        %lt3A_187 = arith.cmpi slt, %add3A_185, %lt3A_186 : i32
        %convert_element_type3A_188 = arith.extui %lt3A_187 : i1 to i32
        %cond3A_189 = arith.constant 0 : i32
        %cond3A_190 = arith.cmpi ne, %convert_element_type3A_188, %cond3A_189 : i32
        scf.if %cond3A_190 {
          %mul3A_228 = arith.constant 1024 : i32
          %mul3A_229 = arith.muli %add3A_185, %mul3A_228 : i32
          %dma_start3A_230 = arith.constant 1 : i32
          %dma_start3A_231 = arith.constant 0 : i32
          %dma_start3A_232 = tpu.memref_slice %arg5[%dma_start3A_230, %dma_start3A_231] : memref<2x1024xi32, #tpu.memory_space<vmem>> -> memref<1x1024xi32, #tpu.memory_space<vmem>>
          %dma_start3A_233 = tpu.memref_squeeze %dma_start3A_232 : memref<1x1024xi32, #tpu.memory_space<vmem>> -> memref<1024xi32, #tpu.memory_space<vmem>>
          %dma_start3A_234 = tpu.memref_slice %arg3[%mul3A_229] : memref<3200000xi32, #tpu.memory_space<hbm>> -> memref<1024xi32, #tpu.memory_space<hbm>>
          %dma_start3A_235 = arith.constant 0 : i32
          %dma_start3A_236 = tpu.memref_slice %arg5[%dma_start3A_230, %dma_start3A_235] : memref<2x1024xi32, #tpu.memory_space<vmem>> -> memref<1x1024xi32, #tpu.memory_space<vmem>>
          %dma_start3A_237 = tpu.memref_squeeze %dma_start3A_236 : memref<1x1024xi32, #tpu.memory_space<vmem>> -> memref<1024xi32, #tpu.memory_space<vmem>>
          %dma_start3A_238 = tpu.memref_slice %arg3[%mul3A_229] : memref<3200000xi32, #tpu.memory_space<hbm>> -> memref<1024xi32, #tpu.memory_space<hbm>>
          tpu.enqueue_dma source(%dma_start3A_238 : memref<1024xi32, #tpu.memory_space<hbm>>) target(%dma_start3A_237 : memref<1024xi32, #tpu.memory_space<vmem>>) target_semaphore(%arg9 : memref<!tpu.dma_semaphore, #tpu.memory_space<semaphore_mem>>)
        } else {
        }
        %ge3A_191 = arith.constant 2 : i32
        %ge3A_192 = arith.cmpi sge, %sub3A_138, %ge3A_191 : i32
        %convert_element_type3A_193 = arith.extui %ge3A_192 : i1 to i32
        %cond3A_194 = arith.constant 0 : i32
        %cond3A_195 = arith.cmpi ne, %convert_element_type3A_193, %cond3A_194 : i32
        scf.if %cond3A_195 {
          %dma_wait3A_228 = arith.constant 1 : i32
          %dma_wait3A_229 = arith.constant 0 : i32
          %dma_wait3A_230 = arith.constant 0 : i32
          %dma_wait3A_231 = tpu.memref_slice %arg7[%dma_wait3A_228, %dma_wait3A_230] : memref<2x16384xf32, #tpu.memory_space<vmem>> -> memref<1x8192xf32, #tpu.memory_space<vmem>>
          %dma_wait3A_232 = tpu.memref_squeeze %dma_wait3A_231 : memref<1x8192xf32, #tpu.memory_space<vmem>> -> memref<8192xf32, #tpu.memory_space<vmem>>
          %dma_wait3A_233 = arith.constant 0 : i32
          %dma_wait3A_234 = tpu.memref_slice %arg4[%dma_wait3A_229, %dma_wait3A_233] : memref<2x25600000xf32, #tpu.memory_space<hbm>> -> memref<1x8192xf32, #tpu.memory_space<hbm>>
          %dma_wait3A_235 = tpu.memref_squeeze %dma_wait3A_234 : memref<1x8192xf32, #tpu.memory_space<hbm>> -> memref<8192xf32, #tpu.memory_space<hbm>>
          %dma_wait3A_236 = arith.constant 0 : i32
          %dma_wait3A_237 = tpu.memref_slice %arg4[%dma_wait3A_229, %dma_wait3A_236] : memref<2x25600000xf32, #tpu.memory_space<hbm>> -> memref<1x8192xf32, #tpu.memory_space<hbm>>
          %dma_wait3A_238 = tpu.memref_squeeze %dma_wait3A_237 : memref<1x8192xf32, #tpu.memory_space<hbm>> -> memref<8192xf32, #tpu.memory_space<hbm>>
          %dma_wait3A_239 = arith.constant 0 : i32
          %dma_wait3A_240 = tpu.memref_slice %arg7[%dma_wait3A_228, %dma_wait3A_239] : memref<2x16384xf32, #tpu.memory_space<vmem>> -> memref<1x8192xf32, #tpu.memory_space<vmem>>
          %dma_wait3A_241 = tpu.memref_squeeze %dma_wait3A_240 : memref<1x8192xf32, #tpu.memory_space<vmem>> -> memref<8192xf32, #tpu.memory_space<vmem>>
          tpu.wait_dma2 semaphore(%arg13 : memref<!tpu.dma_semaphore, #tpu.memory_space<semaphore_mem>>) src(%dma_wait3A_241 : memref<8192xf32, #tpu.memory_space<vmem>>) dst(%dma_wait3A_238 : memref<8192xf32, #tpu.memory_space<hbm>>)
          %dma_wait3A_242 = arith.constant 1 : i32
          %dma_wait3A_243 = arith.constant 1 : i32
          %dma_wait3A_244 = arith.constant 8192 : i32
          %dma_wait3A_245 = tpu.memref_slice %arg7[%dma_wait3A_242, %dma_wait3A_244] : memref<2x16384xf32, #tpu.memory_space<vmem>> -> memref<1x8192xf32, #tpu.memory_space<vmem>>
          %dma_wait3A_246 = tpu.memref_squeeze %dma_wait3A_245 : memref<1x8192xf32, #tpu.memory_space<vmem>> -> memref<8192xf32, #tpu.memory_space<vmem>>
          %dma_wait3A_247 = arith.constant 0 : i32
          %dma_wait3A_248 = tpu.memref_slice %arg4[%dma_wait3A_243, %dma_wait3A_247] : memref<2x25600000xf32, #tpu.memory_space<hbm>> -> memref<1x8192xf32, #tpu.memory_space<hbm>>
          %dma_wait3A_249 = tpu.memref_squeeze %dma_wait3A_248 : memref<1x8192xf32, #tpu.memory_space<hbm>> -> memref<8192xf32, #tpu.memory_space<hbm>>
          %dma_wait3A_250 = arith.constant 0 : i32
          %dma_wait3A_251 = tpu.memref_slice %arg4[%dma_wait3A_243, %dma_wait3A_250] : memref<2x25600000xf32, #tpu.memory_space<hbm>> -> memref<1x8192xf32, #tpu.memory_space<hbm>>
          %dma_wait3A_252 = tpu.memref_squeeze %dma_wait3A_251 : memref<1x8192xf32, #tpu.memory_space<hbm>> -> memref<8192xf32, #tpu.memory_space<hbm>>
          %dma_wait3A_253 = arith.constant 8192 : i32
          %dma_wait3A_254 = tpu.memref_slice %arg7[%dma_wait3A_242, %dma_wait3A_253] : memref<2x16384xf32, #tpu.memory_space<vmem>> -> memref<1x8192xf32, #tpu.memory_space<vmem>>
          %dma_wait3A_255 = tpu.memref_squeeze %dma_wait3A_254 : memref<1x8192xf32, #tpu.memory_space<vmem>> -> memref<8192xf32, #tpu.memory_space<vmem>>
          tpu.wait_dma2 semaphore(%arg13 : memref<!tpu.dma_semaphore, #tpu.memory_space<semaphore_mem>>) src(%dma_wait3A_255 : memref<8192xf32, #tpu.memory_space<vmem>>) dst(%dma_wait3A_252 : memref<8192xf32, #tpu.memory_space<hbm>>)
        } else {
        }
        %scan3A_196 = arith.constant 0 : i32
        %scan3A_197 = arith.constant 8 : i32
        %scan3A_198 = arith.addi %scan3A_196, %scan3A_197 : i32
        %scan3A_199 = arith.constant 1 : i32
        scf.for %scan3A_228 = %scan3A_196 to %scan3A_198 step %scan3A_199  : i32 {
          %mul3A_229 = arith.constant 1 : i32
          %mul3A_230 = arith.muli %scan3A_228, %mul3A_229 : i32
          %add3A_231 = arith.constant 0 : i32
          %add3A_232 = arith.addi %add3A_231, %mul3A_230 : i32
          %mul3A_233 = arith.constant 1024 : i32
          %mul3A_234 = arith.muli %add3A_232, %mul3A_233 : i32
          %add3A_235 = vector.broadcast %mul3A_234 : i32 to vector<16xi32>
          %add3A_236 = arith.addi %add3A_50, %add3A_235 : vector<16xi32>
          %parallel_loop3A = arith.constant 0 : i32
          %parallel_loop3A_237 = arith.constant 128 : i32
          %parallel_loop3A_238 = arith.constant 1 : i32
          scf.for %parallel_loop3A_239 = %parallel_loop3A to %parallel_loop3A_237 step %parallel_loop3A_238  : i32 {
            %parallel_loop3A_240 = arith.constant 128 : i32
            %parallel_loop3A_241 = arith.muli %add3A_232, %parallel_loop3A_240 : i32
            %parallel_loop3A_242 = arith.addi %parallel_loop3A_241, %parallel_loop3A_239 : i32
            %parallel_loop3A_243 = arith.constant 1 : i32
            %parallel_loop3A_244 = arith.index_cast %parallel_loop3A_243 : i32 to index
            %parallel_loop3A_245 = arith.index_cast %parallel_loop3A_242 : i32 to index
            %parallel_loop3A_246 = arith.constant 0 : index
            %parallel_loop3A_247 = tpu.vector_load %arg6[%parallel_loop3A_244, %parallel_loop3A_245, %parallel_loop3A_246] {strides = array<i32>} : memref<2x1024x16xf32, #tpu.memory_space<vmem>>, vector<16xf32>,
            %parallel_loop3A_248 = vector.broadcast %parallel_loop3A_239 : i32 to vector<16xi32>
            %parallel_loop3A_249 = arith.addi %add3A_236, %parallel_loop3A_248 : vector<16xi32>
            %parallel_loop3A_250 = arith.constant 1 : i32
            %parallel_loop3A_251 = arith.constant 0 : i32
            %parallel_loop3A_252 = tpu.memref_slice %arg7[%parallel_loop3A_250, %parallel_loop3A_251] : memref<2x16384xf32, #tpu.memory_space<vmem>> -> memref<1x16384xf32, #tpu.memory_space<vmem>>
            %parallel_loop3A_253 = tpu.memref_squeeze %parallel_loop3A_252 : memref<1x16384xf32, #tpu.memory_space<vmem>> -> memref<16384xf32, #tpu.memory_space<vmem>>
            tpu.vector_store_idx %parallel_loop3A_253[%parallel_loop3A_249], %parallel_loop3A_247 : memref<16384xf32, #tpu.memory_space<vmem>>[vector<16xi32>], vector<16xf32>,
          } {sc.loop_unroll_factor = 8 : i64, sc.parallel_access}
        }
        %scan3A_200 = arith.constant 8 : i32
        %mul3A_201 = arith.constant 8192 : i32
        %mul3A_202 = arith.muli %add3A_141, %mul3A_201 : i32
        %dma_start3A = arith.constant 1 : i32
        %dma_start3A_203 = arith.constant 0 : i32
        %dma_start3A_204 = arith.constant 0 : i32
        %dma_start3A_205 = tpu.memref_slice %arg7[%dma_start3A, %dma_start3A_204] : memref<2x16384xf32, #tpu.memory_space<vmem>> -> memref<1x8192xf32, #tpu.memory_space<vmem>>
        %dma_start3A_206 = tpu.memref_squeeze %dma_start3A_205 : memref<1x8192xf32, #tpu.memory_space<vmem>> -> memref<8192xf32, #tpu.memory_space<vmem>>
        %dma_start3A_207 = tpu.memref_slice %arg4[%dma_start3A_203, %mul3A_202] : memref<2x25600000xf32, #tpu.memory_space<hbm>> -> memref<1x8192xf32, #tpu.memory_space<hbm>>
        %dma_start3A_208 = tpu.memref_squeeze %dma_start3A_207 : memref<1x8192xf32, #tpu.memory_space<hbm>> -> memref<8192xf32, #tpu.memory_space<hbm>>
        %dma_start3A_209 = tpu.memref_slice %arg4[%dma_start3A_203, %mul3A_202] : memref<2x25600000xf32, #tpu.memory_space<hbm>> -> memref<1x8192xf32, #tpu.memory_space<hbm>>
        %dma_start3A_210 = tpu.memref_squeeze %dma_start3A_209 : memref<1x8192xf32, #tpu.memory_space<hbm>> -> memref<8192xf32, #tpu.memory_space<hbm>>
        %dma_start3A_211 = arith.constant 0 : i32
        %dma_start3A_212 = tpu.memref_slice %arg7[%dma_start3A, %dma_start3A_211] : memref<2x16384xf32, #tpu.memory_space<vmem>> -> memref<1x8192xf32, #tpu.memory_space<vmem>>
        %dma_start3A_213 = tpu.memref_squeeze %dma_start3A_212 : memref<1x8192xf32, #tpu.memory_space<vmem>> -> memref<8192xf32, #tpu.memory_space<vmem>>
        tpu.enqueue_dma source(%dma_start3A_213 : memref<8192xf32, #tpu.memory_space<vmem>>) target(%dma_start3A_210 : memref<8192xf32, #tpu.memory_space<hbm>>) target_semaphore(%arg13 : memref<!tpu.dma_semaphore, #tpu.memory_space<semaphore_mem>>)
        %mul3A_214 = arith.constant 8192 : i32
        %mul3A_215 = arith.muli %add3A_141, %mul3A_214 : i32
        %dma_start3A_216 = arith.constant 1 : i32
        %dma_start3A_217 = arith.constant 1 : i32
        %dma_start3A_218 = arith.constant 8192 : i32
        %dma_start3A_219 = tpu.memref_slice %arg7[%dma_start3A_216, %dma_start3A_218] : memref<2x16384xf32, #tpu.memory_space<vmem>> -> memref<1x8192xf32, #tpu.memory_space<vmem>>
        %dma_start3A_220 = tpu.memref_squeeze %dma_start3A_219 : memref<1x8192xf32, #tpu.memory_space<vmem>> -> memref<8192xf32, #tpu.memory_space<vmem>>
        %dma_start3A_221 = tpu.memref_slice %arg4[%dma_start3A_217, %mul3A_215] : memref<2x25600000xf32, #tpu.memory_space<hbm>> -> memref<1x8192xf32, #tpu.memory_space<hbm>>
        %dma_start3A_222 = tpu.memref_squeeze %dma_start3A_221 : memref<1x8192xf32, #tpu.memory_space<hbm>> -> memref<8192xf32, #tpu.memory_space<hbm>>
        %dma_start3A_223 = tpu.memref_slice %arg4[%dma_start3A_217, %mul3A_215] : memref<2x25600000xf32, #tpu.memory_space<hbm>> -> memref<1x8192xf32, #tpu.memory_space<hbm>>
        %dma_start3A_224 = tpu.memref_squeeze %dma_start3A_223 : memref<1x8192xf32, #tpu.memory_space<hbm>> -> memref<8192xf32, #tpu.memory_space<hbm>>
        %dma_start3A_225 = arith.constant 8192 : i32
        %dma_start3A_226 = tpu.memref_slice %arg7[%dma_start3A_216, %dma_start3A_225] : memref<2x16384xf32, #tpu.memory_space<vmem>> -> memref<1x8192xf32, #tpu.memory_space<vmem>>
        %dma_start3A_227 = tpu.memref_squeeze %dma_start3A_226 : memref<1x8192xf32, #tpu.memory_space<vmem>> -> memref<8192xf32, #tpu.memory_space<vmem>>
        tpu.enqueue_dma source(%dma_start3A_227 : memref<8192xf32, #tpu.memory_space<vmem>>) target(%dma_start3A_224 : memref<8192xf32, #tpu.memory_space<hbm>>) target_semaphore(%arg13 : memref<!tpu.dma_semaphore, #tpu.memory_space<semaphore_mem>>)
      } else {
      }
      %add3A_149 = arith.constant 1 : i32
      %add3A_150 = arith.addi %add3A_126, %add3A_149 : i32
      %mul3A_151 = arith.constant 32 : i32
      %mul3A_152 = arith.muli %add3A_150, %mul3A_151 : i32
      %add3A_153 = arith.addi %add3A, %mul3A_152 : i32
      %lt3A_154 = arith.constant 3125 : i32
      %lt3A_155 = arith.cmpi slt, %add3A_153, %lt3A_154 : i32
      %convert_element_type3A_156 = arith.extui %lt3A_155 : i1 to i32
      %cond3A_157 = arith.constant 0 : i32
      %cond3A_158 = arith.cmpi ne, %convert_element_type3A_156, %cond3A_157 : i32
      scf.if %cond3A_158 {
        %dma_wait3A_172 = arith.constant 1 : i32
        %dma_wait3A_173 = arith.constant 0 : i32
        %dma_wait3A_174 = tpu.memref_slice %arg5[%dma_wait3A_172, %dma_wait3A_173] : memref<2x1024xi32, #tpu.memory_space<vmem>> -> memref<1x1024xi32, #tpu.memory_space<vmem>>
        %dma_wait3A_175 = tpu.memref_squeeze %dma_wait3A_174 : memref<1x1024xi32, #tpu.memory_space<vmem>> -> memref<1024xi32, #tpu.memory_space<vmem>>
        %dma_wait3A_176 = arith.constant 0 : i32
        %dma_wait3A_177 = tpu.memref_slice %arg3[%dma_wait3A_176] : memref<3200000xi32, #tpu.memory_space<hbm>> -> memref<1024xi32, #tpu.memory_space<hbm>>
        %dma_wait3A_178 = arith.constant 0 : i32
        %dma_wait3A_179 = tpu.memref_slice %arg5[%dma_wait3A_172, %dma_wait3A_178] : memref<2x1024xi32, #tpu.memory_space<vmem>> -> memref<1x1024xi32, #tpu.memory_space<vmem>>
        %dma_wait3A_180 = tpu.memref_squeeze %dma_wait3A_179 : memref<1x1024xi32, #tpu.memory_space<vmem>> -> memref<1024xi32, #tpu.memory_space<vmem>>
        %dma_wait3A_181 = arith.constant 0 : i32
        %dma_wait3A_182 = tpu.memref_slice %arg3[%dma_wait3A_181] : memref<3200000xi32, #tpu.memory_space<hbm>> -> memref<1024xi32, #tpu.memory_space<hbm>>
        tpu.wait_dma2 semaphore(%arg9 : memref<!tpu.dma_semaphore, #tpu.memory_space<semaphore_mem>>) src(%dma_wait3A_182 : memref<1024xi32, #tpu.memory_space<hbm>>) dst(%dma_wait3A_180 : memref<1024xi32, #tpu.memory_space<vmem>>)
        %dma_start3A = arith.constant 1 : i32
        %dma_start3A_183 = arith.constant 1 : i32
        %dma_start3A_184 = arith.constant 0 : i32
        %dma_start3A_185 = arith.constant 0 : i32
        %dma_start3A_186 = tpu.memref_slice %arg6[%dma_start3A_183, %dma_start3A_184, %dma_start3A_185] : memref<2x1024x16xf32, #tpu.memory_space<vmem>> -> memref<1x1024x16xf32, #tpu.memory_space<vmem>>
        %dma_start3A_187 = tpu.memref_squeeze %dma_start3A_186 : memref<1x1024x16xf32, #tpu.memory_space<vmem>> -> memref<1024x16xf32, #tpu.memory_space<vmem>>
        %dma_start3A_188 = arith.constant 0 : i32
        %dma_start3A_189 = tpu.memref_slice %arg5[%dma_start3A, %dma_start3A_188] : memref<2x1024xi32, #tpu.memory_space<vmem>> -> memref<1x1024xi32, #tpu.memory_space<vmem>>
        %dma_start3A_190 = tpu.memref_squeeze %dma_start3A_189 : memref<1x1024xi32, #tpu.memory_space<vmem>> -> memref<1024xi32, #tpu.memory_space<vmem>>
        %dma_start3A_191 = arith.constant 0 : i32
        %dma_start3A_192 = arith.constant 0 : i32
        %dma_start3A_193 = tpu.memref_slice %arg2[%dma_start3A_191, %dma_start3A_192] : memref<3200000x16xf32, #tpu.memory_space<hbm>> -> memref<3200000x16xf32, #tpu.memory_space<hbm>>
        tpu.enqueue_indirect_dma source(%dma_start3A_193 : memref<3200000x16xf32, #tpu.memory_space<hbm>>) target(%dma_start3A_187 : memref<1024x16xf32, #tpu.memory_space<vmem>>) offsets(%dma_start3A_190 : memref<1024xi32, #tpu.memory_space<vmem>>) semaphore(%arg11 : memref<!tpu.dma_semaphore, #tpu.memory_space<semaphore_mem>>)
      } else {
      }
      %sub3A_159 = arith.constant 1 : i32
      %sub3A_160 = arith.subi %add3A_150, %sub3A_159 : i32
      %mul3A_161 = arith.constant 32 : i32
      %mul3A_162 = arith.muli %sub3A_160, %mul3A_161 : i32
      %add3A_163 = arith.addi %add3A, %mul3A_162 : i32
      %ge3A_164 = arith.constant 0 : i32
      %ge3A_165 = arith.cmpi sge, %sub3A_160, %ge3A_164 : i32
      %lt3A_166 = arith.constant 3125 : i32
      %lt3A_167 = arith.cmpi slt, %add3A_163, %lt3A_166 : i32
      %and3A_168 = arith.andi %ge3A_165, %lt3A_167 : i1
      %convert_element_type3A_169 = arith.extui %and3A_168 : i1 to i32
      %cond3A_170 = arith.constant 0 : i32
      %cond3A_171 = arith.cmpi ne, %convert_element_type3A_169, %cond3A_170 : i32
      scf.if %cond3A_171 {
        %dma_wait3A_172 = arith.constant 0 : i32
        %dma_wait3A_173 = arith.constant 0 : i32
        %dma_wait3A_174 = arith.constant 0 : i32
        %dma_wait3A_175 = arith.constant 0 : i32
        %dma_wait3A_176 = tpu.memref_slice %arg6[%dma_wait3A_173, %dma_wait3A_174, %dma_wait3A_175] : memref<2x1024x16xf32, #tpu.memory_space<vmem>> -> memref<1x1024x16xf32, #tpu.memory_space<vmem>>
        %dma_wait3A_177 = tpu.memref_squeeze %dma_wait3A_176 : memref<1x1024x16xf32, #tpu.memory_space<vmem>> -> memref<1024x16xf32, #tpu.memory_space<vmem>>
        %dma_wait3A_178 = arith.constant 0 : i32
        %dma_wait3A_179 = tpu.memref_slice %arg5[%dma_wait3A_172, %dma_wait3A_178] : memref<2x1024xi32, #tpu.memory_space<vmem>> -> memref<1x1024xi32, #tpu.memory_space<vmem>>
        %dma_wait3A_180 = tpu.memref_squeeze %dma_wait3A_179 : memref<1x1024xi32, #tpu.memory_space<vmem>> -> memref<1024xi32, #tpu.memory_space<vmem>>
        %dma_wait3A_181 = arith.constant 0 : i32
        %dma_wait3A_182 = arith.constant 0 : i32
        %dma_wait3A_183 = tpu.memref_slice %arg2[%dma_wait3A_181, %dma_wait3A_182] : memref<3200000x16xf32, #tpu.memory_space<hbm>> -> memref<3200000x16xf32, #tpu.memory_space<hbm>>
        tpu.wait_indirect_dma semaphore(%arg10 : memref<!tpu.dma_semaphore, #tpu.memory_space<semaphore_mem>>) src(%dma_wait3A_183 : memref<3200000x16xf32, #tpu.memory_space<hbm>>) dst(%dma_wait3A_177 : memref<1024x16xf32, #tpu.memory_space<vmem>>)
        %add3A_184 = arith.constant 64 : i32
        %add3A_185 = arith.addi %add3A_163, %add3A_184 : i32
        %lt3A_186 = arith.constant 3125 : i32
        %lt3A_187 = arith.cmpi slt, %add3A_185, %lt3A_186 : i32
        %convert_element_type3A_188 = arith.extui %lt3A_187 : i1 to i32
        %cond3A_189 = arith.constant 0 : i32
        %cond3A_190 = arith.cmpi ne, %convert_element_type3A_188, %cond3A_189 : i32
        scf.if %cond3A_190 {
          %mul3A_228 = arith.constant 1024 : i32
          %mul3A_229 = arith.muli %add3A_185, %mul3A_228 : i32
          %dma_start3A_230 = arith.constant 0 : i32
          %dma_start3A_231 = arith.constant 0 : i32
          %dma_start3A_232 = tpu.memref_slice %arg5[%dma_start3A_230, %dma_start3A_231] : memref<2x1024xi32, #tpu.memory_space<vmem>> -> memref<1x1024xi32, #tpu.memory_space<vmem>>
          %dma_start3A_233 = tpu.memref_squeeze %dma_start3A_232 : memref<1x1024xi32, #tpu.memory_space<vmem>> -> memref<1024xi32, #tpu.memory_space<vmem>>
          %dma_start3A_234 = tpu.memref_slice %arg3[%mul3A_229] : memref<3200000xi32, #tpu.memory_space<hbm>> -> memref<1024xi32, #tpu.memory_space<hbm>>
          %dma_start3A_235 = arith.constant 0 : i32
          %dma_start3A_236 = tpu.memref_slice %arg5[%dma_start3A_230, %dma_start3A_235] : memref<2x1024xi32, #tpu.memory_space<vmem>> -> memref<1x1024xi32, #tpu.memory_space<vmem>>
          %dma_start3A_237 = tpu.memref_squeeze %dma_start3A_236 : memref<1x1024xi32, #tpu.memory_space<vmem>> -> memref<1024xi32, #tpu.memory_space<vmem>>
          %dma_start3A_238 = tpu.memref_slice %arg3[%mul3A_229] : memref<3200000xi32, #tpu.memory_space<hbm>> -> memref<1024xi32, #tpu.memory_space<hbm>>
          tpu.enqueue_dma source(%dma_start3A_238 : memref<1024xi32, #tpu.memory_space<hbm>>) target(%dma_start3A_237 : memref<1024xi32, #tpu.memory_space<vmem>>) target_semaphore(%arg8 : memref<!tpu.dma_semaphore, #tpu.memory_space<semaphore_mem>>)
        } else {
        }
        %ge3A_191 = arith.constant 2 : i32
        %ge3A_192 = arith.cmpi sge, %sub3A_160, %ge3A_191 : i32
        %convert_element_type3A_193 = arith.extui %ge3A_192 : i1 to i32
        %cond3A_194 = arith.constant 0 : i32
        %cond3A_195 = arith.cmpi ne, %convert_element_type3A_193, %cond3A_194 : i32
        scf.if %cond3A_195 {
          %dma_wait3A_228 = arith.constant 0 : i32
          %dma_wait3A_229 = arith.constant 0 : i32
          %dma_wait3A_230 = arith.constant 0 : i32
          %dma_wait3A_231 = tpu.memref_slice %arg7[%dma_wait3A_228, %dma_wait3A_230] : memref<2x16384xf32, #tpu.memory_space<vmem>> -> memref<1x8192xf32, #tpu.memory_space<vmem>>
          %dma_wait3A_232 = tpu.memref_squeeze %dma_wait3A_231 : memref<1x8192xf32, #tpu.memory_space<vmem>> -> memref<8192xf32, #tpu.memory_space<vmem>>
          %dma_wait3A_233 = arith.constant 0 : i32
          %dma_wait3A_234 = tpu.memref_slice %arg4[%dma_wait3A_229, %dma_wait3A_233] : memref<2x25600000xf32, #tpu.memory_space<hbm>> -> memref<1x8192xf32, #tpu.memory_space<hbm>>
          %dma_wait3A_235 = tpu.memref_squeeze %dma_wait3A_234 : memref<1x8192xf32, #tpu.memory_space<hbm>> -> memref<8192xf32, #tpu.memory_space<hbm>>
          %dma_wait3A_236 = arith.constant 0 : i32
          %dma_wait3A_237 = tpu.memref_slice %arg4[%dma_wait3A_229, %dma_wait3A_236] : memref<2x25600000xf32, #tpu.memory_space<hbm>> -> memref<1x8192xf32, #tpu.memory_space<hbm>>
          %dma_wait3A_238 = tpu.memref_squeeze %dma_wait3A_237 : memref<1x8192xf32, #tpu.memory_space<hbm>> -> memref<8192xf32, #tpu.memory_space<hbm>>
          %dma_wait3A_239 = arith.constant 0 : i32
          %dma_wait3A_240 = tpu.memref_slice %arg7[%dma_wait3A_228, %dma_wait3A_239] : memref<2x16384xf32, #tpu.memory_space<vmem>> -> memref<1x8192xf32, #tpu.memory_space<vmem>>
          %dma_wait3A_241 = tpu.memref_squeeze %dma_wait3A_240 : memref<1x8192xf32, #tpu.memory_space<vmem>> -> memref<8192xf32, #tpu.memory_space<vmem>>
          tpu.wait_dma2 semaphore(%arg12 : memref<!tpu.dma_semaphore, #tpu.memory_space<semaphore_mem>>) src(%dma_wait3A_241 : memref<8192xf32, #tpu.memory_space<vmem>>) dst(%dma_wait3A_238 : memref<8192xf32, #tpu.memory_space<hbm>>)
          %dma_wait3A_242 = arith.constant 0 : i32
          %dma_wait3A_243 = arith.constant 1 : i32
          %dma_wait3A_244 = arith.constant 8192 : i32
          %dma_wait3A_245 = tpu.memref_slice %arg7[%dma_wait3A_242, %dma_wait3A_244] : memref<2x16384xf32, #tpu.memory_space<vmem>> -> memref<1x8192xf32, #tpu.memory_space<vmem>>
          %dma_wait3A_246 = tpu.memref_squeeze %dma_wait3A_245 : memref<1x8192xf32, #tpu.memory_space<vmem>> -> memref<8192xf32, #tpu.memory_space<vmem>>
          %dma_wait3A_247 = arith.constant 0 : i32
          %dma_wait3A_248 = tpu.memref_slice %arg4[%dma_wait3A_243, %dma_wait3A_247] : memref<2x25600000xf32, #tpu.memory_space<hbm>> -> memref<1x8192xf32, #tpu.memory_space<hbm>>
          %dma_wait3A_249 = tpu.memref_squeeze %dma_wait3A_248 : memref<1x8192xf32, #tpu.memory_space<hbm>> -> memref<8192xf32, #tpu.memory_space<hbm>>
          %dma_wait3A_250 = arith.constant 0 : i32
          %dma_wait3A_251 = tpu.memref_slice %arg4[%dma_wait3A_243, %dma_wait3A_250] : memref<2x25600000xf32, #tpu.memory_space<hbm>> -> memref<1x8192xf32, #tpu.memory_space<hbm>>
          %dma_wait3A_252 = tpu.memref_squeeze %dma_wait3A_251 : memref<1x8192xf32, #tpu.memory_space<hbm>> -> memref<8192xf32, #tpu.memory_space<hbm>>
          %dma_wait3A_253 = arith.constant 8192 : i32
          %dma_wait3A_254 = tpu.memref_slice %arg7[%dma_wait3A_242, %dma_wait3A_253] : memref<2x16384xf32, #tpu.memory_space<vmem>> -> memref<1x8192xf32, #tpu.memory_space<vmem>>
          %dma_wait3A_255 = tpu.memref_squeeze %dma_wait3A_254 : memref<1x8192xf32, #tpu.memory_space<vmem>> -> memref<8192xf32, #tpu.memory_space<vmem>>
          tpu.wait_dma2 semaphore(%arg12 : memref<!tpu.dma_semaphore, #tpu.memory_space<semaphore_mem>>) src(%dma_wait3A_255 : memref<8192xf32, #tpu.memory_space<vmem>>) dst(%dma_wait3A_252 : memref<8192xf32, #tpu.memory_space<hbm>>)
        } else {
        }
        %scan3A_196 = arith.constant 0 : i32
        %scan3A_197 = arith.constant 8 : i32
        %scan3A_198 = arith.addi %scan3A_196, %scan3A_197 : i32
        %scan3A_199 = arith.constant 1 : i32
        scf.for %scan3A_228 = %scan3A_196 to %scan3A_198 step %scan3A_199  : i32 {
          %mul3A_229 = arith.constant 1 : i32
          %mul3A_230 = arith.muli %scan3A_228, %mul3A_229 : i32
          %add3A_231 = arith.constant 0 : i32
          %add3A_232 = arith.addi %add3A_231, %mul3A_230 : i32
          %mul3A_233 = arith.constant 1024 : i32
          %mul3A_234 = arith.muli %add3A_232, %mul3A_233 : i32
          %add3A_235 = vector.broadcast %mul3A_234 : i32 to vector<16xi32>
          %add3A_236 = arith.addi %add3A_50, %add3A_235 : vector<16xi32>
          %parallel_loop3A = arith.constant 0 : i32
          %parallel_loop3A_237 = arith.constant 128 : i32
          %parallel_loop3A_238 = arith.constant 1 : i32
          scf.for %parallel_loop3A_239 = %parallel_loop3A to %parallel_loop3A_237 step %parallel_loop3A_238  : i32 {
            %parallel_loop3A_240 = arith.constant 128 : i32
            %parallel_loop3A_241 = arith.muli %add3A_232, %parallel_loop3A_240 : i32
            %parallel_loop3A_242 = arith.addi %parallel_loop3A_241, %parallel_loop3A_239 : i32
            %parallel_loop3A_243 = arith.constant 0 : i32
            %parallel_loop3A_244 = arith.index_cast %parallel_loop3A_243 : i32 to index
            %parallel_loop3A_245 = arith.index_cast %parallel_loop3A_242 : i32 to index
            %parallel_loop3A_246 = arith.constant 0 : index
            %parallel_loop3A_247 = tpu.vector_load %arg6[%parallel_loop3A_244, %parallel_loop3A_245, %parallel_loop3A_246] {strides = array<i32>} : memref<2x1024x16xf32, #tpu.memory_space<vmem>>, vector<16xf32>,
            %parallel_loop3A_248 = vector.broadcast %parallel_loop3A_239 : i32 to vector<16xi32>
            %parallel_loop3A_249 = arith.addi %add3A_236, %parallel_loop3A_248 : vector<16xi32>
            %parallel_loop3A_250 = arith.constant 0 : i32
            %parallel_loop3A_251 = arith.constant 0 : i32
            %parallel_loop3A_252 = tpu.memref_slice %arg7[%parallel_loop3A_250, %parallel_loop3A_251] : memref<2x16384xf32, #tpu.memory_space<vmem>> -> memref<1x16384xf32, #tpu.memory_space<vmem>>
            %parallel_loop3A_253 = tpu.memref_squeeze %parallel_loop3A_252 : memref<1x16384xf32, #tpu.memory_space<vmem>> -> memref<16384xf32, #tpu.memory_space<vmem>>
            tpu.vector_store_idx %parallel_loop3A_253[%parallel_loop3A_249], %parallel_loop3A_247 : memref<16384xf32, #tpu.memory_space<vmem>>[vector<16xi32>], vector<16xf32>,
          } {sc.loop_unroll_factor = 8 : i64, sc.parallel_access}
        }
        %scan3A_200 = arith.constant 8 : i32
        %mul3A_201 = arith.constant 8192 : i32
        %mul3A_202 = arith.muli %add3A_163, %mul3A_201 : i32
        %dma_start3A = arith.constant 0 : i32
        %dma_start3A_203 = arith.constant 0 : i32
        %dma_start3A_204 = arith.constant 0 : i32
        %dma_start3A_205 = tpu.memref_slice %arg7[%dma_start3A, %dma_start3A_204] : memref<2x16384xf32, #tpu.memory_space<vmem>> -> memref<1x8192xf32, #tpu.memory_space<vmem>>
        %dma_start3A_206 = tpu.memref_squeeze %dma_start3A_205 : memref<1x8192xf32, #tpu.memory_space<vmem>> -> memref<8192xf32, #tpu.memory_space<vmem>>
        %dma_start3A_207 = tpu.memref_slice %arg4[%dma_start3A_203, %mul3A_202] : memref<2x25600000xf32, #tpu.memory_space<hbm>> -> memref<1x8192xf32, #tpu.memory_space<hbm>>
        %dma_start3A_208 = tpu.memref_squeeze %dma_start3A_207 : memref<1x8192xf32, #tpu.memory_space<hbm>> -> memref<8192xf32, #tpu.memory_space<hbm>>
        %dma_start3A_209 = tpu.memref_slice %arg4[%dma_start3A_203, %mul3A_202] : memref<2x25600000xf32, #tpu.memory_space<hbm>> -> memref<1x8192xf32, #tpu.memory_space<hbm>>
        %dma_start3A_210 = tpu.memref_squeeze %dma_start3A_209 : memref<1x8192xf32, #tpu.memory_space<hbm>> -> memref<8192xf32, #tpu.memory_space<hbm>>
        %dma_start3A_211 = arith.constant 0 : i32
        %dma_start3A_212 = tpu.memref_slice %arg7[%dma_start3A, %dma_start3A_211] : memref<2x16384xf32, #tpu.memory_space<vmem>> -> memref<1x8192xf32, #tpu.memory_space<vmem>>
        %dma_start3A_213 = tpu.memref_squeeze %dma_start3A_212 : memref<1x8192xf32, #tpu.memory_space<vmem>> -> memref<8192xf32, #tpu.memory_space<vmem>>
        tpu.enqueue_dma source(%dma_start3A_213 : memref<8192xf32, #tpu.memory_space<vmem>>) target(%dma_start3A_210 : memref<8192xf32, #tpu.memory_space<hbm>>) target_semaphore(%arg12 : memref<!tpu.dma_semaphore, #tpu.memory_space<semaphore_mem>>)
        %mul3A_214 = arith.constant 8192 : i32
        %mul3A_215 = arith.muli %add3A_163, %mul3A_214 : i32
        %dma_start3A_216 = arith.constant 0 : i32
        %dma_start3A_217 = arith.constant 1 : i32
        %dma_start3A_218 = arith.constant 8192 : i32
        %dma_start3A_219 = tpu.memref_slice %arg7[%dma_start3A_216, %dma_start3A_218] : memref<2x16384xf32, #tpu.memory_space<vmem>> -> memref<1x8192xf32, #tpu.memory_space<vmem>>
        %dma_start3A_220 = tpu.memref_squeeze %dma_start3A_219 : memref<1x8192xf32, #tpu.memory_space<vmem>> -> memref<8192xf32, #tpu.memory_space<vmem>>
        %dma_start3A_221 = tpu.memref_slice %arg4[%dma_start3A_217, %mul3A_215] : memref<2x25600000xf32, #tpu.memory_space<hbm>> -> memref<1x8192xf32, #tpu.memory_space<hbm>>
        %dma_start3A_222 = tpu.memref_squeeze %dma_start3A_221 : memref<1x8192xf32, #tpu.memory_space<hbm>> -> memref<8192xf32, #tpu.memory_space<hbm>>
        %dma_start3A_223 = tpu.memref_slice %arg4[%dma_start3A_217, %mul3A_215] : memref<2x25600000xf32, #tpu.memory_space<hbm>> -> memref<1x8192xf32, #tpu.memory_space<hbm>>
        %dma_start3A_224 = tpu.memref_squeeze %dma_start3A_223 : memref<1x8192xf32, #tpu.memory_space<hbm>> -> memref<8192xf32, #tpu.memory_space<hbm>>
        %dma_start3A_225 = arith.constant 8192 : i32
        %dma_start3A_226 = tpu.memref_slice %arg7[%dma_start3A_216, %dma_start3A_225] : memref<2x16384xf32, #tpu.memory_space<vmem>> -> memref<1x8192xf32, #tpu.memory_space<vmem>>
        %dma_start3A_227 = tpu.memref_squeeze %dma_start3A_226 : memref<1x8192xf32, #tpu.memory_space<vmem>> -> memref<8192xf32, #tpu.memory_space<vmem>>
        tpu.enqueue_dma source(%dma_start3A_227 : memref<8192xf32, #tpu.memory_space<vmem>>) target(%dma_start3A_224 : memref<8192xf32, #tpu.memory_space<hbm>>) target_semaphore(%arg12 : memref<!tpu.dma_semaphore, #tpu.memory_space<semaphore_mem>>)
      } else {
      }
    }
    %scan3A_66 = arith.constant 50 : i32
    %dma_wait3A = arith.constant 0 : i32
    %dma_wait3A_67 = arith.constant 0 : i32
    %dma_wait3A_68 = arith.constant 0 : i32
    %dma_wait3A_69 = tpu.memref_slice %arg7[%dma_wait3A, %dma_wait3A_68] : memref<2x16384xf32, #tpu.memory_space<vmem>> -> memref<1x8192xf32, #tpu.memory_space<vmem>>
    %dma_wait3A_70 = tpu.memref_squeeze %dma_wait3A_69 : memref<1x8192xf32, #tpu.memory_space<vmem>> -> memref<8192xf32, #tpu.memory_space<vmem>>
    %dma_wait3A_71 = arith.constant 0 : i32
    %dma_wait3A_72 = tpu.memref_slice %arg4[%dma_wait3A_67, %dma_wait3A_71] : memref<2x25600000xf32, #tpu.memory_space<hbm>> -> memref<1x8192xf32, #tpu.memory_space<hbm>>
    %dma_wait3A_73 = tpu.memref_squeeze %dma_wait3A_72 : memref<1x8192xf32, #tpu.memory_space<hbm>> -> memref<8192xf32, #tpu.memory_space<hbm>>
    %dma_wait3A_74 = arith.constant 0 : i32
    %dma_wait3A_75 = tpu.memref_slice %arg4[%dma_wait3A_67, %dma_wait3A_74] : memref<2x25600000xf32, #tpu.memory_space<hbm>> -> memref<1x8192xf32, #tpu.memory_space<hbm>>
    %dma_wait3A_76 = tpu.memref_squeeze %dma_wait3A_75 : memref<1x8192xf32, #tpu.memory_space<hbm>> -> memref<8192xf32, #tpu.memory_space<hbm>>
    %dma_wait3A_77 = arith.constant 0 : i32
    %dma_wait3A_78 = tpu.memref_slice %arg7[%dma_wait3A, %dma_wait3A_77] : memref<2x16384xf32, #tpu.memory_space<vmem>> -> memref<1x8192xf32, #tpu.memory_space<vmem>>
    %dma_wait3A_79 = tpu.memref_squeeze %dma_wait3A_78 : memref<1x8192xf32, #tpu.memory_space<vmem>> -> memref<8192xf32, #tpu.memory_space<vmem>>
    tpu.wait_dma2 semaphore(%arg12 : memref<!tpu.dma_semaphore, #tpu.memory_space<semaphore_mem>>) src(%dma_wait3A_79 : memref<8192xf32, #tpu.memory_space<vmem>>) dst(%dma_wait3A_76 : memref<8192xf32, #tpu.memory_space<hbm>>)
    %dma_wait3A_80 = arith.constant 0 : i32
    %dma_wait3A_81 = arith.constant 1 : i32
    %dma_wait3A_82 = arith.constant 8192 : i32
    %dma_wait3A_83 = tpu.memref_slice %arg7[%dma_wait3A_80, %dma_wait3A_82] : memref<2x16384xf32, #tpu.memory_space<vmem>> -> memref<1x8192xf32, #tpu.memory_space<vmem>>
    %dma_wait3A_84 = tpu.memref_squeeze %dma_wait3A_83 : memref<1x8192xf32, #tpu.memory_space<vmem>> -> memref<8192xf32, #tpu.memory_space<vmem>>
    %dma_wait3A_85 = arith.constant 0 : i32
    %dma_wait3A_86 = tpu.memref_slice %arg4[%dma_wait3A_81, %dma_wait3A_85] : memref<2x25600000xf32, #tpu.memory_space<hbm>> -> memref<1x8192xf32, #tpu.memory_space<hbm>>
    %dma_wait3A_87 = tpu.memref_squeeze %dma_wait3A_86 : memref<1x8192xf32, #tpu.memory_space<hbm>> -> memref<8192xf32, #tpu.memory_space<hbm>>
    %dma_wait3A_88 = arith.constant 0 : i32
    %dma_wait3A_89 = tpu.memref_slice %arg4[%dma_wait3A_81, %dma_wait3A_88] : memref<2x25600000xf32, #tpu.memory_space<hbm>> -> memref<1x8192xf32, #tpu.memory_space<hbm>>
    %dma_wait3A_90 = tpu.memref_squeeze %dma_wait3A_89 : memref<1x8192xf32, #tpu.memory_space<hbm>> -> memref<8192xf32, #tpu.memory_space<hbm>>
    %dma_wait3A_91 = arith.constant 8192 : i32
    %dma_wait3A_92 = tpu.memref_slice %arg7[%dma_wait3A_80, %dma_wait3A_91] : memref<2x16384xf32, #tpu.memory_space<vmem>> -> memref<1x8192xf32, #tpu.memory_space<vmem>>
    %dma_wait3A_93 = tpu.memref_squeeze %dma_wait3A_92 : memref<1x8192xf32, #tpu.memory_space<vmem>> -> memref<8192xf32, #tpu.memory_space<vmem>>
    tpu.wait_dma2 semaphore(%arg12 : memref<!tpu.dma_semaphore, #tpu.memory_space<semaphore_mem>>) src(%dma_wait3A_93 : memref<8192xf32, #tpu.memory_space<vmem>>) dst(%dma_wait3A_90 : memref<8192xf32, #tpu.memory_space<hbm>>)
    %dma_wait3A_94 = arith.constant 1 : i32
    %dma_wait3A_95 = arith.constant 0 : i32
    %dma_wait3A_96 = arith.constant 0 : i32
    %dma_wait3A_97 = tpu.memref_slice %arg7[%dma_wait3A_94, %dma_wait3A_96] : memref<2x16384xf32, #tpu.memory_space<vmem>> -> memref<1x8192xf32, #tpu.memory_space<vmem>>
    %dma_wait3A_98 = tpu.memref_squeeze %dma_wait3A_97 : memref<1x8192xf32, #tpu.memory_space<vmem>> -> memref<8192xf32, #tpu.memory_space<vmem>>
    %dma_wait3A_99 = arith.constant 0 : i32
    %dma_wait3A_100 = tpu.memref_slice %arg4[%dma_wait3A_95, %dma_wait3A_99] : memref<2x25600000xf32, #tpu.memory_space<hbm>> -> memref<1x8192xf32, #tpu.memory_space<hbm>>
    %dma_wait3A_101 = tpu.memref_squeeze %dma_wait3A_100 : memref<1x8192xf32, #tpu.memory_space<hbm>> -> memref<8192xf32, #tpu.memory_space<hbm>>
    %dma_wait3A_102 = arith.constant 0 : i32
    %dma_wait3A_103 = tpu.memref_slice %arg4[%dma_wait3A_95, %dma_wait3A_102] : memref<2x25600000xf32, #tpu.memory_space<hbm>> -> memref<1x8192xf32, #tpu.memory_space<hbm>>
    %dma_wait3A_104 = tpu.memref_squeeze %dma_wait3A_103 : memref<1x8192xf32, #tpu.memory_space<hbm>> -> memref<8192xf32, #tpu.memory_space<hbm>>
    %dma_wait3A_105 = arith.constant 0 : i32
    %dma_wait3A_106 = tpu.memref_slice %arg7[%dma_wait3A_94, %dma_wait3A_105] : memref<2x16384xf32, #tpu.memory_space<vmem>> -> memref<1x8192xf32, #tpu.memory_space<vmem>>
    %dma_wait3A_107 = tpu.memref_squeeze %dma_wait3A_106 : memref<1x8192xf32, #tpu.memory_space<vmem>> -> memref<8192xf32, #tpu.memory_space<vmem>>
    tpu.wait_dma2 semaphore(%arg13 : memref<!tpu.dma_semaphore, #tpu.memory_space<semaphore_mem>>) src(%dma_wait3A_107 : memref<8192xf32, #tpu.memory_space<vmem>>) dst(%dma_wait3A_104 : memref<8192xf32, #tpu.memory_space<hbm>>)
    %dma_wait3A_108 = arith.constant 1 : i32
    %dma_wait3A_109 = arith.constant 1 : i32
    %dma_wait3A_110 = arith.constant 8192 : i32
    %dma_wait3A_111 = tpu.memref_slice %arg7[%dma_wait3A_108, %dma_wait3A_110] : memref<2x16384xf32, #tpu.memory_space<vmem>> -> memref<1x8192xf32, #tpu.memory_space<vmem>>
    %dma_wait3A_112 = tpu.memref_squeeze %dma_wait3A_111 : memref<1x8192xf32, #tpu.memory_space<vmem>> -> memref<8192xf32, #tpu.memory_space<vmem>>
    %dma_wait3A_113 = arith.constant 0 : i32
    %dma_wait3A_114 = tpu.memref_slice %arg4[%dma_wait3A_109, %dma_wait3A_113] : memref<2x25600000xf32, #tpu.memory_space<hbm>> -> memref<1x8192xf32, #tpu.memory_space<hbm>>
    %dma_wait3A_115 = tpu.memref_squeeze %dma_wait3A_114 : memref<1x8192xf32, #tpu.memory_space<hbm>> -> memref<8192xf32, #tpu.memory_space<hbm>>
    %dma_wait3A_116 = arith.constant 0 : i32
    %dma_wait3A_117 = tpu.memref_slice %arg4[%dma_wait3A_109, %dma_wait3A_116] : memref<2x25600000xf32, #tpu.memory_space<hbm>> -> memref<1x8192xf32, #tpu.memory_space<hbm>>
    %dma_wait3A_118 = tpu.memref_squeeze %dma_wait3A_117 : memref<1x8192xf32, #tpu.memory_space<hbm>> -> memref<8192xf32, #tpu.memory_space<hbm>>
    %dma_wait3A_119 = arith.constant 8192 : i32
    %dma_wait3A_120 = tpu.memref_slice %arg7[%dma_wait3A_108, %dma_wait3A_119] : memref<2x16384xf32, #tpu.memory_space<vmem>> -> memref<1x8192xf32, #tpu.memory_space<vmem>>
    %dma_wait3A_121 = tpu.memref_squeeze %dma_wait3A_120 : memref<1x8192xf32, #tpu.memory_space<vmem>> -> memref<8192xf32, #tpu.memory_space<vmem>>
    tpu.wait_dma2 semaphore(%arg13 : memref<!tpu.dma_semaphore, #tpu.memory_space<semaphore_mem>>) src(%dma_wait3A_121 : memref<8192xf32, #tpu.memory_space<vmem>>) dst(%dma_wait3A_118 : memref<8192xf32, #tpu.memory_space<hbm>>)
    return
  }
}

</mosaic_0001>

<sc_bundles>
// kernel: kernel.4.cloned.1.call-start
scs
__scs_entry_jumppad:
0x0: {  	(pc) =	sbr.rel $0x88, $3  }
0x1: {  	(tag) =	ssettag $0x0;
	lr =	simm.s32 $0x1  }
0x2: {  	[smem:$0x3F9F] =	sst lr;
	_ =	strace $0xD0000000  }
0x3: {  	_ = 	snop  }
0x4: {  	_ = 	snop  }
0x5: {  	_ = 	snop  }
0x6: {  	_ = 	snop  }
0x7: {  	_ = 	snop  }
__scs_overlays_trampoline_lowered:
0x8: {  	[smem:$0x3FAE] =	sst s0  }
0x9: {  	[smem:$0x3FAF] =	sst s1  }
0xa: {  	[smem:$0x3FB0] =	sst s2  }
0xb: {  	[smem:$0x3FB1] =	sst s3  }
0xc: {  	[smem:$0x3FB2] =	sst s4  }
0xd: {  	[smem:$0x3FB3] =	sst s5  }
0xe: {  	[smem:$0x3FB4] =	sst s6  }
0xf: {  	[smem:$0x3FB5] =	sst s7  }
0x10: {  	[smem:$0x3FB6] =	sst s8  }
0x11: {  	[smem:$0x3FB7] =	sst s9;
	s0 =	simm.s32 @!p0 $0x0  }
0x12: {  	s1 =	sld [smem:$0x3F9D];
	s0 =	simm.s32 @p0 $0x1  }
0x13: {  	[smem:$0x3FB8] =	sst s0;
	s0 =	simm.s32 @!p1 $0x0  }
0x14: {  	s2 =	sld [smem:$0x3F9C];
	s0 =	simm.s32 @p1 $0x1  }
0x15: {  	[smem:$0x3FB9] =	sst s0;
	s0 =	simm.s32 @!p2 $0x0  }
0x16: {  	s3 =	sld [smem:$0x3FDB];
	s0 =	simm.s32 @p2 $0x1  }
0x17: {  	s4 =	simm.s32 $0x1BF5;
	[smem:$0x3FBB] =	sst s0  }
0x18: {  	s0 =	sld [smem:$0x3F9E];
	_ =	swait.ge [sflag:s4], $0x0  }
0x19: {  	s7 =	sld [smem:$0x3F9F]  }
0x1a: {  	s8 =	sadd.s32 $0xFFFFE003, lr  }
0x1b: {  	s9 =	sadd.s32 $0xFFFFFEF7, lr;
	s5 =	simm.s32 $0xFFFFFFFF;
	p2 =	slt.u32 s8, $0xFFFFF086  }
0x1c: {  	p1 =	slt.u32 s9, $0xF7A;
	s5 =	simm.s32 @!p2 $0x0  }
0x1d: {  	s5 =	simm.s32 @p1 $0x1;
	p0 =	seq.s32 s7, s2  }
0x1e: {  	s7 =	smul.u32 @!p0 $0xF7A, s2;
	p2 =	seq.s32 @!p0 s5, $0x0  }
0x1f: {  	s9 =	smul.u32 $0xF7A, s1;
	s8 =	simm.s32 @!p0 $0x1BF5;
	p2 =	por !p2, p0  }
0x20: {  	[sflag:s8] =	ssyncset.s32 @!p0 $0xFFFFF086;
	s6 =	sadd.s32 @!p0 s3, s7;
	s7 =	simm.s32 @!p0 $0x108  }
0x21: {  	s3 =	sadd.s32 s3, s9;
	s6 =	sadd.s32 @!p0 $0x88, s6;
	s7 =	simm.s32 @p2 $0x1082  }
0x22: {  	[simem:s7], [sflag:s8] =	dma.local @!p0 [hbm:s6], $0xF7A  }
0x23: {  	s9 =	sor.u32 $0xD0000000, s2;
	s6 =	simm.s32 $0x108;
	_ =	swait.ge @!p0 [sflag:s8], $0x0  }
0x24: {  	s3 =	sadd.s32 $0x88, s3;
	s6 =	simm.s32 @!p1 $0x1082;
	[sflag:s4] =	ssyncset.s32 $0xFFFFF086  }
0x25: {  	[simem:s6], [sflag:s4] =	dma.local [hbm:s3], $0xF7A  }
0x26: {  	[smem:$0x3F9F] =	sst s1;
	(tag) =	ssettag s2;
	_ =	strace s9  }
0x27: {  	s1 =	sld [smem:$0x3FAF]  }
0x28: {  	s2 =	sld [smem:$0x3FB0]  }
0x29: {  	s4 =	sld [smem:$0x3FB2]  }
0x2a: {  	p0 =	seq.s32 s5, $0x0;
	s5 =	sld [smem:$0x3FB3]  }
0x2b: {  	s6 =	sld [smem:$0x3FB4]  }
0x2c: {  	s7 =	sld [smem:$0x3FB5]  }
0x2d: {  	s3 =	simm.s32 $0x108;
	s8 =	sld [smem:$0x3FB6]  }
0x2e: {  	s3 =	simm.s32 @!p0 $0x1082;
	s9 =	sld [smem:$0x3FB7]  }
0x2f: {  	lr =	sadd.s32 s0, s3;
	s0 =	sld [smem:$0x3FAE]  }
0x30: {  	s3 =	sld [smem:$0x3FB1]  }
0x31: {  	[smem:$0x3FBA] =	sst s10  }
0x32: {  	s10 =	sld [smem:$0x3FB8];
	_ =	sdelay $0x3  }
0x33: {  	p0 =	seq.s32 s10, $0x1;
	s10 =	sld [smem:$0x3FBA];
	_ =	sdelay $0x3  }
0x34: {  	[smem:$0x3FBA] =	sst s10  }
0x35: {  	s10 =	sld [smem:$0x3FB9];
	_ =	sdelay $0x3  }
0x36: {  	p1 =	seq.s32 s10, $0x1;
	s10 =	sld [smem:$0x3FBA];
	_ =	sdelay $0x3  }
0x37: {  	[smem:$0x3FBA] =	sst s10  }
0x38: {  	s10 =	sld [smem:$0x3FBB]  }
0x39: {  	_ = 	snop;
	(pc) =	sbr.ind lr, $3  }
0x3a: {  	_ = 	snop  }
0x3b: {  	_ = 	snop  }
0x3c: {  	p2 =	seq.s32 s10, $0x1;
	s10 =	sld [smem:$0x3FBA]  }
0x3d: {  	_ =	shalt  }
0x3e: {  	_ =	shalt  }
0x3f: {  	_ =	shalt  }
0x40: {  	_ =	shalt  }
0x41: {  	_ =	shalt  }
0x42: {  	_ =	shalt  }
0x43: {  	_ =	shalt  }
0x44: {  	_ =	shalt  }
0x45: {  	_ =	shalt  }
0x46: {  	_ =	shalt  }
0x47: {  	_ =	shalt  }
0x48: {  	_ =	shalt  }
0x49: {  	_ =	shalt  }
0x4a: {  	_ =	shalt  }
0x4b: {  	_ =	shalt  }
0x4c: {  	_ =	shalt  }
0x4d: {  	_ =	shalt  }
0x4e: {  	_ =	shalt  }
0x4f: {  	_ =	shalt  }
0x50: {  	_ =	shalt  }
0x51: {  	_ =	shalt  }
0x52: {  	_ =	shalt  }
0x53: {  	_ =	shalt  }
0x54: {  	_ =	shalt  }
0x55: {  	_ =	shalt  }
0x56: {  	_ =	shalt  }
0x57: {  	_ =	shalt  }
0x58: {  	_ =	shalt  }
0x59: {  	_ =	shalt  }
0x5a: {  	_ =	shalt  }
0x5b: {  	_ =	shalt  }
0x5c: {  	_ =	shalt  }
0x5d: {  	_ =	shalt  }
0x5e: {  	_ =	shalt  }
0x5f: {  	_ =	shalt  }
0x60: {  	_ =	shalt  }
0x61: {  	_ =	shalt  }
0x62: {  	_ =	shalt  }
0x63: {  	_ =	shalt  }
0x64: {  	_ =	shalt  }
0x65: {  	_ =	shalt  }
0x66: {  	_ =	shalt  }
0x67: {  	_ =	shalt  }
0x68: {  	_ =	shalt  }
0x69: {  	_ =	shalt  }
0x6a: {  	_ =	shalt  }
0x6b: {  	_ =	shalt  }
0x6c: {  	_ =	shalt  }
0x6d: {  	_ =	shalt  }
0x6e: {  	_ =	shalt  }
0x6f: {  	_ =	shalt  }
0x70: {  	_ =	shalt  }
0x71: {  	_ =	shalt  }
0x72: {  	_ =	shalt  }
0x73: {  	_ =	shalt  }
0x74: {  	_ =	shalt  }
0x75: {  	_ =	shalt  }
0x76: {  	_ =	shalt  }
0x77: {  	_ =	shalt  }
0x78: {  	_ =	shalt  }
0x79: {  	_ =	shalt  }
0x7a: {  	_ =	shalt  }
0x7b: {  	_ =	shalt  }
0x7c: {  	_ =	shalt  }
0x7d: {  	_ =	shalt  }
0x7e: {  	_ =	shalt  }
0x7f: {  	_ =	shalt  }
0x80: {  	_ =	shalt  }
0x81: {  	_ =	shalt  }
0x82: {  	_ =	shalt  }
0x83: {  	_ =	shalt  }
0x84: {  	_ =	shalt  }
0x85: {  	_ =	shalt  }
0x86: {  	_ =	shalt  }
0x87: {  	_ =	shalt  }
.Lfunc_end0:
.L_simem_size_0:
called_computation_lowered:
.L_overlay_start_0:
0x88: {  	s2 =	sld [smem:$0x3FD9]  }
0x89: {  	s3 =	sld [smem:$0x3FFE];
	_ =	sdelay $0x1  }
0x8a: {  	s1 =	srdreg.scid  }
0x8b: {  	s0 =	sand.u32 $0x1, s1  }
0x8c: {  	s17 =	sshll.u32 s0, $0xA;
	s2 =	sadd.s32 s3, s2  }
0x8d: {  	s2 =	sadd.s32 s2, s17  }
0x8e: {  	[smem:$0x3FC6] =	sst s2  }
0x8f: {  	_ = 	snop  }
0x90: {  	s2 =	sld [smem:$0x3FC8];
	(tm) =	ssettm $0x1  }
0x91: {  	s18 =	sld [smem:$0x3FFB];
	_ =	sdelay $0x3  }
0x92: {  	_ =	strace s18  }
0x93: {  	s3 =	sld [smem:$0x3FFC];
	_ =	sdelay $0x3  }
0x94: {  	_ =	strace s3  }
0x95: {  	s3 =	sld [smem:$0x3FFD];
	_ =	sdelay $0x3  }
0x96: {  	_ =	strace s3  }
0x97: {  	_ =	strace $0x8FFFFFFF  }
0x98: {  	s19 =	sld [smem:$0x3FDB];
	_ =	sdelay $0x1  }
0x99: {  	s4 =	simm.s32 $_scs_section_size  }
0x9a: {  	s5 =	simm.s32 $_size__tile_overlayer_lowered;
	s6 =	simm.s32 $_tile_overlayer_lowered  }
0x9b: {  	s22 =	simm.s32 $0x1BFF;
	s21 =	sshll.u32 s6, $0x1;
	s3 =	sadd.s32 s4, s19  }
0x9c: {  	s7 =	simm.s32 $0x0;
	s20 =	sshll.u32 s5, $0x1;
	s5 =	sadd.s32 s21, s3  }
0x9d: {  	[timem:s7], [sflag:s22] =	dma.local [hbm:s5], s20  }
0x9e: {  	_ =	swait.ge [sflag:s22], s20  }
0x9f: {  	s4 =	ssub.s32 $0x0, s20;
	[sflag:s22] =	ssyncset.done $0x0  }
0xa0: {  	[sflag:s22] =	ssyncadd.s32 s4;
	_ =	sdelay $0x1  }
0xa1: {  	s23 =	simm.s32 $0x1B8B  }
0xa2: {  	_ =	swait.ge [sflag:s23], $0x1  }
0xa3: {  	[sflag:s23] =	ssyncset.done $0x0  }
0xa4: {  	s25 =	simm.s32 $0x1B8E;
	s24 =	sld [smem:$0x3FFE];
	[sflag:s23] =	ssyncadd.s32 $0xFFFFFFFF  }
0xa5: {  	s26 =	simm.s32 $execute0_lowered;
	[smem:$0x3FD2] =	sst s25  }
0xa6: {  	s5 =	sshll.u32 s26, $0x1;
	_ =	strace $0x80000046;
	[dreg:$0x1] =	wrdreg $0xFFFFFFFF  }
0xa7: {  	s28 =	simm.s32 $_size_execute0_lowered;
	s3 =	sadd.s32 s3, s5;
	[dreg:$0x0] =	wrdreg $0x0  }
0xa8: {  	s5 =	sshll.u32 s28, $0x1;
	[dreg:$0x2] =	wrdreg s3  }
0xa9: {  	[dreg:$0x3] =	wrdreg s5  }
0xaa: {  	[dreg:$0x4] =	wrdreg $0xC0  }
0xab: {  	_ =	task [dreg:s7], $0x5FFFF  }
0xac: {  	[dreg:$0x1] =	wrdreg $0xFFFFFFFF  }
0xad: {  	[dreg:$0x0] =	wrdreg $0x60  }
0xae: {  	[dreg:$0x2] =	wrdreg s2  }
0xaf: {  	[dreg:$0x3] =	wrdreg s24  }
0xb0: {  	[dreg:$0x4] =	wrdreg $0x9  }
0xb1: {  	_ =	task.clear_ibuf [dreg:s7], $0x5FFFF;
	_ =	strace $0x90000046  }
0xb2: {  	s29 =	simm.s32 $0x9;
	_ =	strace $0x80000048  }
0xb3: {  	_ =	swait.ge [sflag:s29], $0x1  }
0xb4: {  	[sflag:s29] =	ssyncadd.s32 $0xFFFFFFFF  }
0xb5: {  	_ =	strace $0x90000048  }
0xb6: {  	_ =	sfence  }
0xb7: {  	s30 =	sld [smem:$0x0];
	_ =	sdelay $0x2  }
0xb8: {  	s31 =	sshll.u32 s1, $0xD;
	s1 =	sshrl.u32 s1, $0x2  }
0xb9: {  	s3 =	sand.u32 $0x4000, s31;
	s1 =	sadd.s32 s1, s30  }
0xba: {  	s0 =	sor.u32 s3, s0;
	s1 =	sshll.u32 s1, $0x11  }
0xbb: {  	s0 =	sor.u32 s1, s0  }
0xbc: {  	s0 =	sadd.s32 $0x8F2B, s0  }
0xbd: {  	[sflag:s0] =	ssyncadd.remote.s32 $0x1  }
0xbe: {  	_ =	sfence.sel $0xFFFF  }
0xbf: {  	[dreg:$0x0] =	wrdreg $0xFFFFFFFF;
	(pc) =	sbr.abs _section_cstart, $3  }
0xc0: {  	[dreg:$0x1] =	wrdreg $0xFFFFFFFF  }
0xc1: {  	_ =	task.clear_ibuf [dreg:s7], $0x2FFFF;
	_ =	strace $0x9FFFFFFF  }
0xc2: {  	(tm) =	ssettm $0x7FFFFFFF  }
0xc3: {  	_ =	shalt  }
tec
execute0_lowered:
.L_overlay_start_1:
0x0: {  	(tag) =	ssettag $0x1  }
0x1: {  	v0 =	vimm.s32 $0x2380;
	vm0 =	vcmask $0x300  }
0x2: {  	vm14 =	vcmask $0x704;
	v0 =	vsel vm0, $0x0, v0  }
0x3: {  	vm15 =	vcmask $0xB08;
	v0 =	vsel vm14, $0x80, v0  }
0x4: {  	s1 =	rddreg [dreg:$0x0];
	vm4 =	vcmask $0xF0C;
	v0 =	vsel vm15, $0x100, v0  }
0x5: {  	s5 =	rddreg [dreg:$0x1];
	vm5 =	vcmask $0x1310;
	v0 =	vsel vm4, $0x180, v0  }
0x6: {  	s0 =	rddreg [dreg:$0x2];
	vm6 =	vcmask $0x1714;
	v0 =	vsel vm5, $0x200, v0  }
0x7: {  	s4 =	srdreg.scid;
	s2 =	stileid.u32;
	vm7 =	vcmask $0x1B18;
	v0 =	vsel vm6, $0x280, v0  }
0x8: {  	s3 =	simm.s32 $0x0;
	vm8 =	vcmask $0x1F1C;
	s11 =	simm.s32 $0x2000;
	s12 =	simm.s32 $0x4000;
	v0 =	vsel vm7, $0x300, v0  }
0x9: {  	vm9 =	vcmask $0x2320;
	s13 =	simm.s32 $0x6000;
	s14 =	simm.s32 $0x1;
	s15 =	simm.s32 $0x8000;
	v0 =	vsel vm8, $0x380, v0  }
0xa: {  	vm10 =	vcmask $0x2724;
	s16 =	simm.s32 $0x2;
	s17 =	simm.s32 $0xC000;
	s18 =	simm.s32 $0x3;
	v0 =	vsel vm9, $0x2000, v0  }
0xb: {  	vm11 =	vcmask $0x2B28;
	s19 =	simm.s32 $0x4;
	s6 =	sand.u32 $0x1, s4;
	s30 =	sshll.u32 s2, $0x1;
	v0 =	vsel vm10, $0x2080, v0  }
.Ltmp0:
0xc: {  	vm12 =	vcmask $0x2F2C;
	s20 =	simm.s32 $0x0;
	s4 =	sor.u32 s6, s30;
	v0 =	vsel vm11, $0x2100, v0;
	(pc) =	sbr.rel .LBB2_1-.Ltmp0, $4  }
0xd: {  	vm13 =	vcmask $0x3330;
	[smem:$0x7FF] =	sst s3;
	s7 =	ssub.s32 $0x2, s6;
	s31 =	sshll.u32 s4, $0xA;
	v0 =	vsel vm12, $0x2180, v0  }
0xe: {  	s5 =	sadd.s32 $0x800, s5;
	vm14 =	vcmask $0x3734;
	s8 =	sshrl.u32 s7, $0x1;
	s6 =	sadd.s32 s1, s31;
	v0 =	vsel vm13, $0x2200, v0  }
0xf: {  	_ =	strace $0x80000047;
	vm15 =	vcmask $0x3B38;
	s10 =	ssub.s32 s7, s8;
	s7 =	sadd.s32 $0x30D400, s6;
	v0 =	vsel vm14, $0x2280, v0  }
0x10: {  	s8 =	sadd.s32 $0x8000, s6;
	s9 =	sadd.s32 $0x315400, s6;
	s10 =	smax.u32 s10, $0x1;
	v0 =	vsel vm15, $0x2300, v0  }
.LBB2_15:
0x11: {  	s20 =	sadd.s32 $0x1, s20  }
0x12: {  	_ =	swait.ge [sflag:s18], $0x4000;
	p0 =	sne.s32 s20, s10  }
.Ltmp1:
0x13: {  	[sflag:s18] =	ssyncset.done $0x0;
	(pc) =	sbr.rel @!p0 .LBB2_16-.Ltmp1, $4  }
0x14: {  	[sflag:s18] =	ssyncadd.s32 $0xFFFFC000  }
0x15: {  	_ =	swait.ge [sflag:s19], $0x4000  }
0x16: {  	[sflag:s19] =	ssyncset.done $0x0  }
0x17: {  	[sflag:s19] =	ssyncadd.s32 $0xFFFFC000  }
.LBB2_1:
0x18: {  	[tilespmem:s3], [sflag:$0x1] =	stream.linear.gather [hbm4b:s6+s3], $0x2000, $0x38;
	[tilespmem:$0x10000] =	vst v63  }
0x19: {  	_ = 	snop  }
0x1a: {  	[tilespmem:s11], [sflag:$0x1] =	stream.linear.gather [hbm4b:s7+s3], $0x2000, $0x38;
	[tilespmem:$0x10000] =	vst v63  }
.Ltmp2:
0x1b: {  	_ = 	snop;
	(pc) =	sbr.rel .LBB2_2-.Ltmp2, $4  }
0x1c: {  	_ = 	snop  }
0x1d: {  	[tilespmem:s12], [sflag:$0x2] =	stream.linear.gather [hbm4b:s8+s3], $0x2000, $0x38;
	[tilespmem:$0x10000] =	vst v63  }
0x1e: {  	s21 =	simm.s32 $0x0  }
0x1f: {  	[tilespmem:s13], [sflag:$0x2] =	stream.linear.gather [hbm4b:s9+s3], $0x2000, $0x38;
	[tilespmem:$0x10000] =	vst v63  }
.LBB2_14:
0x20: {  	s21 =	sadd.s32 $0x1, s21  }
0x21: {  	p0 =	sne.s32 s21, $0x32  }
.Ltmp3:
0x22: {  	_ = 	snop;
	(pc) =	sbr.rel @!p0 .LBB2_15-.Ltmp3, $1  }
0x23: {  	_ =	sdelay $0x3  }
.LBB2_2:
0x24: {  	s22 =	sshll.u32 s21, $0x6  }
0x25: {  	s22 =	sor.u32 s4, s22  }
0x26: {  	p0 =	sgt.u32 s22, $0xC34  }
.Ltmp4:
0x27: {  	_ = 	snop;
	(pc) =	sbr.rel @p0 .LBB2_8-.Ltmp4, $1  }
0x28: {  	_ =	sdelay $0x3  }
0x29: {  	_ =	swait.ge [sflag:s14], $0x2000  }
0x2a: {  	[sflag:s14] =	ssyncset.done $0x0  }
0x2b: {  	[sflag:s14] =	ssyncadd.s32 $0xFFFFE000  }
0x2c: {  	_ =	swait.ge [sflag:s14], $0x2000  }
0x2d: {  	p0 =	seq.s32 s21, $0x0;
	[sflag:s14] =	ssyncset.done $0x0  }
0x2e: {  	s23 =	simm.s32 @!p0 $0x3;
	[sflag:s14] =	ssyncadd.s32 $0xFFFFE000  }
0x2f: {  	_ =	swait.ge @!p0 [sflag:s23], $0x4000  }
0x30: {  	s24 =	simm.s32 $0x8040;
	[sflag:s23] =	ssyncset.done @!p0 $0x0  }
0x31: {  	s25 =	simm.s32 $0x0;
	[sflag:s23] =	ssyncadd.s32 @!p0 $0xFFFFC000;
	s23 =	simm.s32 $0x0  }
.LBB2_4:
0x32: {  	s26 =	sshll.u32 s25, $0xA  }
0x33: {  	s31 =	simm.s32 $0x7;
	v1 =	vor.u32 s26, v0  }
0x34: {  	s28 =	simm.s32 $0x1;
	v2 =	vor.u32 s31, v1  }
0x35: {  	v3 =	vor.u32 s28, v1;
	s31 =	simm.s32 $0x2  }
0x36: {  	v4 =	vor.u32 s31, v1;
	s31 =	simm.s32 $0x3  }
0x37: {  	v5 =	vor.u32 s31, v1;
	s31 =	simm.s32 $0x4  }
0x38: {  	v6 =	vor.u32 s31, v1;
	s31 =	simm.s32 $0x5  }
0x39: {  	v7 =	vor.u32 s31, v1;
	s31 =	simm.s32 $0x6;
	v2 =	vld.idx.msk [tilespmem:v2+s3+$0x0], $0xffff  }
0x3a: {  	v3 =	vld.idx.msk [tilespmem:v3+s3+$0x0], $0xffff;
	v8 =	vor.u32 s31, v1;
	s31 =	simm.s32 $0xF  }
0x3b: {  	v10 =	vld.idx.msk [tilespmem:v4+s3+$0x0], $0xffff;
	v12 =	vor.u32 s31, v1  }
0x3c: {  	v9 =	vor.u32 s23, v1;
	s28 =	simm.s32 $0x9;
	v13 =	vld.idx.msk [tilespmem:v5+s3+$0x0], $0xffff  }
0x3d: {  	v14 =	vor.u32 s28, v1;
	s31 =	simm.s32 $0xA;
	v15 =	vld.idx.msk [tilespmem:v6+s3+$0x0], $0xffff  }
0x3e: {  	v16 =	vor.u32 s31, v1;
	s31 =	simm.s32 $0xB;
	v6 =	vld.idx.msk [tilespmem:v7+s3+$0x0], $0xffff  }
0x3f: {  	s26 =	simm.s32 $0xC;
	v11 =	vor.u32 s31, v1;
	v5 =	vld.idx.msk [tilespmem:v8+s3+$0x0], $0xffff;
	[tilespmem:s24+$0x30] =	vst v2  }
0x40: {  	s28 =	simm.s32 $0xD;
	[tilespmem:s24+$0xFFFFFFD0] =	vst v3;
	v2 =	vld.idx.msk [tilespmem:v12+s3+$0x0], $0xffff;
	v12 =	vor.u32 s26, v1  }
0x41: {  	v4 =	vld.idx.msk [tilespmem:v9+s3+$0x0], $0xffff;
	v9 =	vor.u32 s28, v1;
	s28 =	simm.s32 $0xE;
	[tilespmem:s24+$0xFFFFFFE0] =	vst v10  }
0x42: {  	s30 =	simm.s32 $0x17;
	s31 =	simm.s32 $0x8;
	v3 =	vld.idx.msk [tilespmem:v14+s3+$0x0], $0xffff;
	v10 =	vor.u32 s28, v1;
	[tilespmem:s24+$0xFFFFFFF0] =	vst v13  }
0x43: {  	s29 =	simm.s32 $0x18;
	v8 =	vor.u32 s31, v1;
	s26 =	simm.s32 $0x10;
	s28 =	smov.u32 s24;
	v7 =	vld.idx.msk [tilespmem:v16+s3+$0x0], $0xffff;
	[tilespmem:s24+$0x0] =	vst v15  }
.LBB2_5:
0x44: {  	p0 =	slt.u32 s29, $0x78;
	s31 =	sadd.s32 $0x1, s26;
	v13 =	vor.u32 s30, v1;
	v14 =	vld.idx.msk [tilespmem:v11+s3+$0x0], $0xffff;
	[tilespmem:s28+$0x10] =	vst v6  }
0x45: {  	s30 =	sadd.s32 $0x2, s26;
	v15 =	vor.u32 s31, v1;
	v16 =	vld.idx.msk [tilespmem:v12+s3+$0x0], $0xffff;
	[tilespmem:s28+$0x20] =	vst v5  }
0x46: {  	v17 =	vor.u32 s30, v1;
	s30 =	sadd.s32 $0x3, s26;
	v6 =	vld.idx.msk [tilespmem:v9+s3+$0x0], $0xffff;
	[tilespmem:s28+$0xFFFFFFC0] =	vst v4;
	s28 =	sadd.s32 $0x80, s28  }
.Ltmp5:
0x47: {  	v11 =	vor.u32 s30, v1;
	s30 =	sadd.s32 $0x4, s26;
	v5 =	vld.idx.msk [tilespmem:v10+s3+$0x0], $0xffff;
	[tilespmem:s28+$0x30] =	vst v2;
	(pc) =	sbr.rel @p0 .LBB2_5-.Ltmp5, $4  }
0x48: {  	v12 =	vor.u32 s30, v1;
	s30 =	sadd.s32 $0x5, s26;
	v4 =	vld.idx.msk [tilespmem:v8+s3+$0x0], $0xffff;
	[tilespmem:s28+$0xFFFFFFD0] =	vst v3  }
0x49: {  	v9 =	vor.u32 s30, v1;
	s30 =	sadd.s32 $0x6, s26;
	v2 =	vld.idx.msk [tilespmem:v13+s3+$0x0], $0xffff;
	[tilespmem:s28+$0xFFFFFFE0] =	vst v7  }
0x4a: {  	v10 =	vor.u32 s30, v1;
	v3 =	vld.idx.msk [tilespmem:v15+s3+$0x0], $0xffff;
	[tilespmem:s28+$0xFFFFFFF0] =	vst v14  }
0x4b: {  	v8 =	vor.u32 s26, v1;
	s26 =	smov.u32 s29;
	s30 =	sadd.s32 $0x7, s29;
	s29 =	sadd.s32 $0x8, s29;
	v7 =	vld.idx.msk [tilespmem:v17+s3+$0x0], $0xffff;
	[tilespmem:s28+$0x0] =	vst v16  }
0x4c: {  	_ =	sdelay $0x2  }
0x4d: {  	[tilespmem:s28+$0x10] =	vst v6  }
0x4e: {  	s29 =	sadd.s32 $0x1, s26;
	v58 =	vor.u32 s30, v1;
	v11 =	vld.idx.msk [tilespmem:v11+s3+$0x0], $0xffff;
	[tilespmem:s28+$0x20] =	vst v5  }
0x4f: {  	s30 =	sadd.s32 $0x2, s26;
	v12 =	vld.idx.msk [tilespmem:v12+s3+$0x0], $0xffff;
	v59 =	vor.u32 s29, v1;
	[tilespmem:s28+$0xFFFFFFC0] =	vst v4;
	s28 =	sadd.s32 $0x80, s28  }
0x50: {  	s31 =	sadd.s32 $0x3, s26;
	v9 =	vld.idx.msk [tilespmem:v9+s3+$0x0], $0xffff;
	v60 =	vor.u32 s30, v1;
	[tilespmem:s28+$0x30] =	vst v2  }
0x51: {  	v10 =	vld.idx.msk [tilespmem:v10+s3+$0x0], $0xffff;
	s30 =	sadd.s32 $0x4, s26;
	v2 =	vor.u32 s31, v1;
	[tilespmem:s28+$0xFFFFFFD0] =	vst v3  }
0x52: {  	v8 =	vld.idx.msk [tilespmem:v8+s3+$0x0], $0xffff;
	s31 =	sadd.s32 $0x5, s26;
	v3 =	vor.u32 s30, v1;
	[tilespmem:s28+$0xFFFFFFE0] =	vst v7  }
0x53: {  	v61 =	vor.u32 s31, v1;
	s30 =	sadd.s32 $0x6, s26;
	v6 =	vld.idx.msk [tilespmem:v58+s3+$0x0], $0xffff;
	[tilespmem:s28+$0xFFFFFFF0] =	vst v11  }
0x54: {  	v62 =	vor.u32 s30, v1;
	[tilespmem:s28+$0x0] =	vst v12;
	v5 =	vld.idx.msk [tilespmem:v59+s3+$0x0], $0xffff  }
0x55: {  	v1 =	vor.u32 s26, v1;
	[tilespmem:s28+$0x10] =	vst v9;
	v4 =	vld.idx.msk [tilespmem:v60+s3+$0x0], $0xffff  }
0x56: {  	[tilespmem:s28+$0x20] =	vst v10;
	v2 =	vld.idx.msk [tilespmem:v2+s3+$0x0], $0xffff  }
0x57: {  	s31 =	sadd.s32 $0x80, s28;
	[tilespmem:s28+$0xFFFFFFC0] =	vst v8;
	v3 =	vld.idx.msk [tilespmem:v3+s3+$0x0], $0xffff  }
0x58: {  	v7 =	vld.idx.msk [tilespmem:v61+s3+$0x0], $0xffff;
	[tilespmem:s31+$0x30] =	vst v6  }
0x59: {  	s25 =	sadd.s32 $0x1, s25;
	v63 =	vld.idx.msk [tilespmem:v62+s3+$0x0], $0xffff;
	[tilespmem:s31+$0xFFFFFFD0] =	vst v5  }
0x5a: {  	p0 =	sne.s32 s25, $0x8;
	v1 =	vld.idx.msk [tilespmem:v1+s3+$0x0], $0xffff;
	[tilespmem:s31+$0xFFFFFFE0] =	vst v4  }
.Ltmp6:
0x5b: {  	[tilespmem:s31+$0xFFFFFFF0] =	vst v2;
	(pc) =	sbr.rel @p0 .LBB2_4-.Ltmp6, $4  }
0x5c: {  	[tilespmem:s31+$0x0] =	vst v3  }
0x5d: {  	[tilespmem:s31+$0x10] =	vst v7  }
0x5e: {  	[tilespmem:s31+$0x20] =	vst v63  }
0x5f: {  	s24 =	sadd.s32 $0x800, s24;
	[tilespmem:s31+$0xFFFFFFC0] =	vst v1  }
0x60: {  	s23 =	sshll.u32 s22, $0xB  }
0x61: {  	p0 =	sgt.u32 s22, $0xBF4;
	s23 =	sadd.s32 s5, s23  }
0x62: {  	[hbm4b:s23+s3] =	stream.linear.scatter [tilespmem:s15], [sflag:$0x3], $0x4000, $0x38;
	[tilespmem:$0x10000] =	vst v63  }
0x63: {  	s23 =	sshll.u32 @!p0 s22, $0xA  }
0x64: {  	s23 =	sand.u32 @!p0 $0x1FFFFC00, s23  }
0x65: {  	s23 =	sadd.s32 @!p0 s1, s23  }
0x66: {  	s25 =	simm.s32 @!p0 $0x0;
	s24 =	sadd.s32 @!p0 $0x10000, s23  }
0x67: {  	[tilespmem:s25], [sflag:$0x1] =	stream.linear.gather @!p0 [hbm4b:s24+s25], $0x2000, $0x38;
	[tilespmem:$0x10000] =	vst v63  }
0x68: {  	s23 =	sadd.s32 @!p0 $0x31D400, s23;
	s24 =	simm.s32 @!p0 $0x2000  }
0x69: {  	[tilespmem:s24], [sflag:$0x1] =	stream.linear.gather @!p0 [hbm4b:s23+s25], $0x2000, $0x38;
	[tilespmem:$0x10000] =	vst v63  }
.LBB2_8:
0x6a: {  	s22 =	sor.u32 $0x20, s22  }
0x6b: {  	p0 =	sgt.u32 s22, $0xC34  }
.Ltmp7:
0x6c: {  	_ = 	snop;
	(pc) =	sbr.rel @p0 .LBB2_14-.Ltmp7, $1  }
0x6d: {  	_ =	sdelay $0x3  }
0x6e: {  	_ =	swait.ge [sflag:s16], $0x2000  }
0x6f: {  	[sflag:s16] =	ssyncset.done $0x0  }
0x70: {  	[sflag:s16] =	ssyncadd.s32 $0xFFFFE000  }
0x71: {  	_ =	swait.ge [sflag:s16], $0x2000  }
0x72: {  	p0 =	seq.s32 s21, $0x0;
	[sflag:s16] =	ssyncset.done $0x0  }
0x73: {  	s23 =	simm.s32 @!p0 $0x4;
	[sflag:s16] =	ssyncadd.s32 $0xFFFFE000  }
0x74: {  	_ =	swait.ge @!p0 [sflag:s23], $0x4000  }
0x75: {  	s24 =	simm.s32 $0xC070;
	[sflag:s23] =	ssyncset.done @!p0 $0x0  }
0x76: {  	s25 =	simm.s32 $0x0;
	[sflag:s23] =	ssyncadd.s32 @!p0 $0xFFFFC000;
	s23 =	simm.s32 $0x0  }
.LBB2_10:
0x77: {  	s26 =	sshll.u32 s25, $0xA  }
0x78: {  	s31 =	simm.s32 $0x7;
	v1 =	vor.u32 s26, v0  }
0x79: {  	s28 =	simm.s32 $0x1;
	v2 =	vor.u32 s31, v1  }
0x7a: {  	v3 =	vor.u32 s28, v1;
	s31 =	simm.s32 $0x2  }
0x7b: {  	v4 =	vor.u32 s31, v1;
	s31 =	simm.s32 $0x3  }
0x7c: {  	v5 =	vor.u32 s31, v1;
	s31 =	simm.s32 $0x4  }
0x7d: {  	v6 =	vor.u32 s31, v1;
	s31 =	simm.s32 $0x5  }
0x7e: {  	v7 =	vor.u32 s31, v1;
	s31 =	simm.s32 $0x6;
	v2 =	vld.idx.msk [tilespmem:v2+s12+$0x0], $0xffff  }
0x7f: {  	v3 =	vld.idx.msk [tilespmem:v3+s12+$0x0], $0xffff;
	v8 =	vor.u32 s31, v1;
	s31 =	simm.s32 $0xF  }
0x80: {  	v10 =	vld.idx.msk [tilespmem:v4+s12+$0x0], $0xffff;
	v12 =	vor.u32 s31, v1  }
0x81: {  	v9 =	vor.u32 s23, v1;
	s28 =	simm.s32 $0x9;
	v13 =	vld.idx.msk [tilespmem:v5+s12+$0x0], $0xffff  }
0x82: {  	v14 =	vor.u32 s28, v1;
	s31 =	simm.s32 $0xA;
	v15 =	vld.idx.msk [tilespmem:v6+s12+$0x0], $0xffff  }
0x83: {  	v16 =	vor.u32 s31, v1;
	s31 =	simm.s32 $0xB;
	v6 =	vld.idx.msk [tilespmem:v7+s12+$0x0], $0xffff  }
0x84: {  	s26 =	simm.s32 $0xC;
	v11 =	vor.u32 s31, v1;
	v5 =	vld.idx.msk [tilespmem:v8+s12+$0x0], $0xffff;
	[tilespmem:s24+$0x0] =	vst v2  }
0x85: {  	s28 =	simm.s32 $0xD;
	[tilespmem:s24+$0xFFFFFFA0] =	vst v3;
	v2 =	vld.idx.msk [tilespmem:v12+s12+$0x0], $0xffff;
	v12 =	vor.u32 s26, v1  }
0x86: {  	v4 =	vld.idx.msk [tilespmem:v9+s12+$0x0], $0xffff;
	v9 =	vor.u32 s28, v1;
	s28 =	simm.s32 $0xE;
	[tilespmem:s24+$0xFFFFFFB0] =	vst v10  }
0x87: {  	s30 =	simm.s32 $0x17;
	s31 =	simm.s32 $0x8;
	v3 =	vld.idx.msk [tilespmem:v14+s12+$0x0], $0xffff;
	v10 =	vor.u32 s28, v1;
	[tilespmem:s24+$0xFFFFFFC0] =	vst v13  }
0x88: {  	s29 =	simm.s32 $0x18;
	v8 =	vor.u32 s31, v1;
	s26 =	simm.s32 $0x10;
	s28 =	smov.u32 s24;
	v7 =	vld.idx.msk [tilespmem:v16+s12+$0x0], $0xffff;
	[tilespmem:s24+$0xFFFFFFD0] =	vst v15  }
.LBB2_11:
0x89: {  	p0 =	slt.u32 s29, $0x78;
	s31 =	sadd.s32 $0x1, s26;
	v13 =	vor.u32 s30, v1;
	v14 =	vld.idx.msk [tilespmem:v11+s12+$0x0], $0xffff;
	[tilespmem:s28+$0xFFFFFFE0] =	vst v6  }
0x8a: {  	s30 =	sadd.s32 $0x2, s26;
	v15 =	vor.u32 s31, v1;
	v16 =	vld.idx.msk [tilespmem:v12+s12+$0x0], $0xffff;
	[tilespmem:s28+$0xFFFFFFF0] =	vst v5  }
0x8b: {  	v17 =	vor.u32 s30, v1;
	s30 =	sadd.s32 $0x3, s26;
	v6 =	vld.idx.msk [tilespmem:v9+s12+$0x0], $0xffff;
	[tilespmem:s28+$0xFFFFFF90] =	vst v4;
	s28 =	sadd.s32 $0x80, s28  }
.Ltmp8:
0x8c: {  	v11 =	vor.u32 s30, v1;
	s30 =	sadd.s32 $0x4, s26;
	v5 =	vld.idx.msk [tilespmem:v10+s12+$0x0], $0xffff;
	[tilespmem:s28+$0x0] =	vst v2;
	(pc) =	sbr.rel @p0 .LBB2_11-.Ltmp8, $4  }
0x8d: {  	v12 =	vor.u32 s30, v1;
	s30 =	sadd.s32 $0x5, s26;
	v4 =	vld.idx.msk [tilespmem:v8+s12+$0x0], $0xffff;
	[tilespmem:s28+$0xFFFFFFA0] =	vst v3  }
0x8e: {  	v9 =	vor.u32 s30, v1;
	s30 =	sadd.s32 $0x6, s26;
	v2 =	vld.idx.msk [tilespmem:v13+s12+$0x0], $0xffff;
	[tilespmem:s28+$0xFFFFFFB0] =	vst v7  }
0x8f: {  	v10 =	vor.u32 s30, v1;
	v3 =	vld.idx.msk [tilespmem:v15+s12+$0x0], $0xffff;
	[tilespmem:s28+$0xFFFFFFC0] =	vst v14  }
0x90: {  	v8 =	vor.u32 s26, v1;
	s26 =	smov.u32 s29;
	s30 =	sadd.s32 $0x7, s29;
	s29 =	sadd.s32 $0x8, s29;
	v7 =	vld.idx.msk [tilespmem:v17+s12+$0x0], $0xffff;
	[tilespmem:s28+$0xFFFFFFD0] =	vst v16  }
0x91: {  	_ =	sdelay $0x2  }
0x92: {  	[tilespmem:s28+$0xFFFFFFE0] =	vst v6  }
0x93: {  	s29 =	sadd.s32 $0x1, s26;
	v58 =	vor.u32 s30, v1;
	v11 =	vld.idx.msk [tilespmem:v11+s12+$0x0], $0xffff;
	[tilespmem:s28+$0xFFFFFFF0] =	vst v5  }
0x94: {  	s30 =	sadd.s32 $0x2, s26;
	v12 =	vld.idx.msk [tilespmem:v12+s12+$0x0], $0xffff;
	v59 =	vor.u32 s29, v1;
	[tilespmem:s28+$0xFFFFFF90] =	vst v4;
	s28 =	sadd.s32 $0x80, s28  }
0x95: {  	s31 =	sadd.s32 $0x3, s26;
	v9 =	vld.idx.msk [tilespmem:v9+s12+$0x0], $0xffff;
	v60 =	vor.u32 s30, v1;
	[tilespmem:s28+$0x0] =	vst v2  }
0x96: {  	v10 =	vld.idx.msk [tilespmem:v10+s12+$0x0], $0xffff;
	s30 =	sadd.s32 $0x4, s26;
	v2 =	vor.u32 s31, v1;
	[tilespmem:s28+$0xFFFFFFA0] =	vst v3  }
0x97: {  	v8 =	vld.idx.msk [tilespmem:v8+s12+$0x0], $0xffff;
	s31 =	sadd.s32 $0x5, s26;
	v3 =	vor.u32 s30, v1;
	[tilespmem:s28+$0xFFFFFFB0] =	vst v7  }
0x98: {  	v61 =	vor.u32 s31, v1;
	s30 =	sadd.s32 $0x6, s26;
	v6 =	vld.idx.msk [tilespmem:v58+s12+$0x0], $0xffff;
	[tilespmem:s28+$0xFFFFFFC0] =	vst v11  }
0x99: {  	v62 =	vor.u32 s30, v1;
	[tilespmem:s28+$0xFFFFFFD0] =	vst v12;
	v5 =	vld.idx.msk [tilespmem:v59+s12+$0x0], $0xffff  }
0x9a: {  	v1 =	vor.u32 s26, v1;
	[tilespmem:s28+$0xFFFFFFE0] =	vst v9;
	v4 =	vld.idx.msk [tilespmem:v60+s12+$0x0], $0xffff  }
0x9b: {  	[tilespmem:s28+$0xFFFFFFF0] =	vst v10;
	v2 =	vld.idx.msk [tilespmem:v2+s12+$0x0], $0xffff  }
0x9c: {  	s31 =	sadd.s32 $0x80, s28;
	[tilespmem:s28+$0xFFFFFF90] =	vst v8;
	v3 =	vld.idx.msk [tilespmem:v3+s12+$0x0], $0xffff  }
0x9d: {  	v7 =	vld.idx.msk [tilespmem:v61+s12+$0x0], $0xffff;
	[tilespmem:s31+$0x0] =	vst v6  }
0x9e: {  	s25 =	sadd.s32 $0x1, s25;
	v63 =	vld.idx.msk [tilespmem:v62+s12+$0x0], $0xffff;
	[tilespmem:s31+$0xFFFFFFA0] =	vst v5  }
0x9f: {  	p0 =	sne.s32 s25, $0x8;
	v1 =	vld.idx.msk [tilespmem:v1+s12+$0x0], $0xffff;
	[tilespmem:s31+$0xFFFFFFB0] =	vst v4  }
.Ltmp9:
0xa0: {  	[tilespmem:s31+$0xFFFFFFC0] =	vst v2;
	(pc) =	sbr.rel @p0 .LBB2_10-.Ltmp9, $4  }
0xa1: {  	[tilespmem:s31+$0xFFFFFFD0] =	vst v3  }
0xa2: {  	[tilespmem:s31+$0xFFFFFFE0] =	vst v7  }
0xa3: {  	[tilespmem:s31+$0xFFFFFFF0] =	vst v63  }
0xa4: {  	s24 =	sadd.s32 $0x800, s24;
	[tilespmem:s31+$0xFFFFFF90] =	vst v1  }
0xa5: {  	s23 =	sshll.u32 s22, $0xB;
	p0 =	sgt.u32 s22, $0xBF4  }
0xa6: {  	s23 =	sadd.s32 s5, s23;
	s22 =	sshll.u32 @!p0 s22, $0xA  }
0xa7: {  	[hbm4b:s23+s3] =	stream.linear.scatter [tilespmem:s17], [sflag:$0x4], $0x4000, $0x38;
	[tilespmem:$0x10000] =	vst v63  }
0xa8: {  	s22 =	sand.u32 @!p0 $0x1FFFFC00, s22  }
.Ltmp10:
0xa9: {  	s22 =	sadd.s32 @!p0 s1, s22;
	(pc) =	sbr.rel .LBB2_14-.Ltmp10, $4  }
0xaa: {  	s24 =	simm.s32 @!p0 $0x0;
	s25 =	simm.s32 @!p0 $0x4000;
	s23 =	sadd.s32 @!p0 $0x10000, s22  }
0xab: {  	[tilespmem:s25], [sflag:$0x2] =	stream.linear.gather @!p0 [hbm4b:s23+s24], $0x2000, $0x38;
	[tilespmem:$0x10000] =	vst v63  }
0xac: {  	s22 =	sadd.s32 @!p0 $0x31D400, s22;
	s23 =	simm.s32 @!p0 $0x6000  }
0xad: {  	[tilespmem:s23], [sflag:$0x2] =	stream.linear.gather @!p0 [hbm4b:s22+s24], $0x2000, $0x38;
	[tilespmem:$0x10000] =	vst v63  }
.LBB2_16:
0xae: {  	_ =	sfence.sel $0x180000  }
0xaf: {  	[bflag:$0x0] =	sbarrier.arrive $0xFFFF  }
0xb0: {  	p0 =	sne.s32 s2, $0x0;
	_ =	strace $0x90000047  }
0xb1: {  	s0 =	sadd.s32 @!p0 $0x100000, s0;
	[bflag:$0x2] =	sbarrier.arrive $0xFFFF  }
0xb2: {  	[sflag:s0] =	ssyncadd.tile.s32 @!p0 $0x1;
	_ =	shalt  }
.Lfunc_end2:
_tile_overlayer_lowered:
.L_overlay_start_2:
0xb3: {  	(tag) =	ssettag $0x2  }
0xb4: {  	s0 =	rddreg [dreg:$0x0];
	s2 =	stileid.u32  }
0xb5: {  	s1 =	rddreg [dreg:$0x1];
	p0 =	sne.s32 s2, $0x0  }
0xb6: {  	s3 =	rddreg [dreg:$0x2];
	[bflag:$0x3] =	sbarrier.arrive $0xFFFF;
	s2 =	simm.s32 @!p0 $0x1C05  }
0xb7: {  	[timem:s3], [sflag:s2] =	dma.local @!p0 [hbm:s0], s1  }
0xb8: {  	s0 =	simm.s32 @!p0 $0x5  }
0xb9: {  	_ =	swait.ge @!p0 [sflag:s0], s1  }
0xba: {  	s1 =	ssub.s32 @!p0 $0x0, s1;
	[sflag:s0] =	ssyncset.done @!p0 $0x0  }
0xbb: {  	[sflag:s0] =	ssyncadd.s32 @!p0 s1  }
0xbc: {  	[bflag:$0x3] =	sbarrier.arrive $0xFFFF  }
0xbd: {  	_ =	shalt  }

// kernel: kernel.7.cloned.1.call-start
scs
__scs_entry_jumppad:
0x0: {  	(pc) =	sbr.rel $0x88, $3  }
0x1: {  	(tag) =	ssettag $0x0;
	lr =	simm.s32 $0x1  }
0x2: {  	[smem:$0x3F9F] =	sst lr;
	_ =	strace $0xD0000000  }
0x3: {  	_ = 	snop  }
0x4: {  	_ = 	snop  }
0x5: {  	_ = 	snop  }
0x6: {  	_ = 	snop  }
0x7: {  	_ = 	snop  }
__scs_overlays_trampoline_lowered:
0x8: {  	[smem:$0x3FAE] =	sst s0  }
0x9: {  	[smem:$0x3FAF] =	sst s1  }
0xa: {  	[smem:$0x3FB0] =	sst s2  }
0xb: {  	[smem:$0x3FB1] =	sst s3  }
0xc: {  	[smem:$0x3FB2] =	sst s4  }
0xd: {  	[smem:$0x3FB3] =	sst s5  }
0xe: {  	[smem:$0x3FB4] =	sst s6  }
0xf: {  	[smem:$0x3FB5] =	sst s7  }
0x10: {  	[smem:$0x3FB6] =	sst s8  }
0x11: {  	[smem:$0x3FB7] =	sst s9;
	s0 =	simm.s32 @!p0 $0x0  }
0x12: {  	s1 =	sld [smem:$0x3F9D];
	s0 =	simm.s32 @p0 $0x1  }
0x13: {  	[smem:$0x3FB8] =	sst s0;
	s0 =	simm.s32 @!p1 $0x0  }
0x14: {  	s2 =	sld [smem:$0x3F9C];
	s0 =	simm.s32 @p1 $0x1  }
0x15: {  	[smem:$0x3FB9] =	sst s0;
	s0 =	simm.s32 @!p2 $0x0  }
0x16: {  	s3 =	sld [smem:$0x3FDB];
	s0 =	simm.s32 @p2 $0x1  }
0x17: {  	s4 =	simm.s32 $0x1BF5;
	[smem:$0x3FBB] =	sst s0  }
0x18: {  	s0 =	sld [smem:$0x3F9E];
	_ =	swait.ge [sflag:s4], $0x0  }
0x19: {  	s7 =	sld [smem:$0x3F9F]  }
0x1a: {  	s8 =	sadd.s32 $0xFFFFE003, lr  }
0x1b: {  	s9 =	sadd.s32 $0xFFFFFEF7, lr;
	s5 =	simm.s32 $0xFFFFFFFF;
	p2 =	slt.u32 s8, $0xFFFFF086  }
0x1c: {  	p1 =	slt.u32 s9, $0xF7A;
	s5 =	simm.s32 @!p2 $0x0  }
0x1d: {  	s5 =	simm.s32 @p1 $0x1;
	p0 =	seq.s32 s7, s2  }
0x1e: {  	s7 =	smul.u32 @!p0 $0xF7A, s2;
	p2 =	seq.s32 @!p0 s5, $0x0  }
0x1f: {  	s9 =	smul.u32 $0xF7A, s1;
	s8 =	simm.s32 @!p0 $0x1BF5;
	p2 =	por !p2, p0  }
0x20: {  	[sflag:s8] =	ssyncset.s32 @!p0 $0xFFFFF086;
	s6 =	sadd.s32 @!p0 s3, s7;
	s7 =	simm.s32 @!p0 $0x108  }
0x21: {  	s3 =	sadd.s32 s3, s9;
	s6 =	sadd.s32 @!p0 $0x88, s6;
	s7 =	simm.s32 @p2 $0x1082  }
0x22: {  	[simem:s7], [sflag:s8] =	dma.local @!p0 [hbm:s6], $0xF7A  }
0x23: {  	s9 =	sor.u32 $0xD0000000, s2;
	s6 =	simm.s32 $0x108;
	_ =	swait.ge @!p0 [sflag:s8], $0x0  }
0x24: {  	s3 =	sadd.s32 $0x88, s3;
	s6 =	simm.s32 @!p1 $0x1082;
	[sflag:s4] =	ssyncset.s32 $0xFFFFF086  }
0x25: {  	[simem:s6], [sflag:s4] =	dma.local [hbm:s3], $0xF7A  }
0x26: {  	[smem:$0x3F9F] =	sst s1;
	(tag) =	ssettag s2;
	_ =	strace s9  }
0x27: {  	s1 =	sld [smem:$0x3FAF]  }
0x28: {  	s2 =	sld [smem:$0x3FB0]  }
0x29: {  	s4 =	sld [smem:$0x3FB2]  }
0x2a: {  	p0 =	seq.s32 s5, $0x0;
	s5 =	sld [smem:$0x3FB3]  }
0x2b: {  	s6 =	sld [smem:$0x3FB4]  }
0x2c: {  	s7 =	sld [smem:$0x3FB5]  }
0x2d: {  	s3 =	simm.s32 $0x108;
	s8 =	sld [smem:$0x3FB6]  }
0x2e: {  	s3 =	simm.s32 @!p0 $0x1082;
	s9 =	sld [smem:$0x3FB7]  }
0x2f: {  	lr =	sadd.s32 s0, s3;
	s0 =	sld [smem:$0x3FAE]  }
0x30: {  	s3 =	sld [smem:$0x3FB1]  }
0x31: {  	[smem:$0x3FBA] =	sst s10  }
0x32: {  	s10 =	sld [smem:$0x3FB8];
	_ =	sdelay $0x3  }
0x33: {  	p0 =	seq.s32 s10, $0x1;
	s10 =	sld [smem:$0x3FBA];
	_ =	sdelay $0x3  }
0x34: {  	[smem:$0x3FBA] =	sst s10  }
0x35: {  	s10 =	sld [smem:$0x3FB9];
	_ =	sdelay $0x3  }
0x36: {  	p1 =	seq.s32 s10, $0x1;
	s10 =	sld [smem:$0x3FBA];
	_ =	sdelay $0x3  }
0x37: {  	[smem:$0x3FBA] =	sst s10  }
0x38: {  	s10 =	sld [smem:$0x3FBB]  }
0x39: {  	_ = 	snop;
	(pc) =	sbr.ind lr, $3  }
0x3a: {  	_ = 	snop  }
0x3b: {  	_ = 	snop  }
0x3c: {  	p2 =	seq.s32 s10, $0x1;
	s10 =	sld [smem:$0x3FBA]  }
0x3d: {  	_ =	shalt  }
0x3e: {  	_ =	shalt  }
0x3f: {  	_ =	shalt  }
0x40: {  	_ =	shalt  }
0x41: {  	_ =	shalt  }
0x42: {  	_ =	shalt  }
0x43: {  	_ =	shalt  }
0x44: {  	_ =	shalt  }
0x45: {  	_ =	shalt  }
0x46: {  	_ =	shalt  }
0x47: {  	_ =	shalt  }
0x48: {  	_ =	shalt  }
0x49: {  	_ =	shalt  }
0x4a: {  	_ =	shalt  }
0x4b: {  	_ =	shalt  }
0x4c: {  	_ =	shalt  }
0x4d: {  	_ =	shalt  }
0x4e: {  	_ =	shalt  }
0x4f: {  	_ =	shalt  }
0x50: {  	_ =	shalt  }
0x51: {  	_ =	shalt  }
0x52: {  	_ =	shalt  }
0x53: {  	_ =	shalt  }
0x54: {  	_ =	shalt  }
0x55: {  	_ =	shalt  }
0x56: {  	_ =	shalt  }
0x57: {  	_ =	shalt  }
0x58: {  	_ =	shalt  }
0x59: {  	_ =	shalt  }
0x5a: {  	_ =	shalt  }
0x5b: {  	_ =	shalt  }
0x5c: {  	_ =	shalt  }
0x5d: {  	_ =	shalt  }
0x5e: {  	_ =	shalt  }
0x5f: {  	_ =	shalt  }
0x60: {  	_ =	shalt  }
0x61: {  	_ =	shalt  }
0x62: {  	_ =	shalt  }
0x63: {  	_ =	shalt  }
0x64: {  	_ =	shalt  }
0x65: {  	_ =	shalt  }
0x66: {  	_ =	shalt  }
0x67: {  	_ =	shalt  }
0x68: {  	_ =	shalt  }
0x69: {  	_ =	shalt  }
0x6a: {  	_ =	shalt  }
0x6b: {  	_ =	shalt  }
0x6c: {  	_ =	shalt  }
0x6d: {  	_ =	shalt  }
0x6e: {  	_ =	shalt  }
0x6f: {  	_ =	shalt  }
0x70: {  	_ =	shalt  }
0x71: {  	_ =	shalt  }
0x72: {  	_ =	shalt  }
0x73: {  	_ =	shalt  }
0x74: {  	_ =	shalt  }
0x75: {  	_ =	shalt  }
0x76: {  	_ =	shalt  }
0x77: {  	_ =	shalt  }
0x78: {  	_ =	shalt  }
0x79: {  	_ =	shalt  }
0x7a: {  	_ =	shalt  }
0x7b: {  	_ =	shalt  }
0x7c: {  	_ =	shalt  }
0x7d: {  	_ =	shalt  }
0x7e: {  	_ =	shalt  }
0x7f: {  	_ =	shalt  }
0x80: {  	_ =	shalt  }
0x81: {  	_ =	shalt  }
0x82: {  	_ =	shalt  }
0x83: {  	_ =	shalt  }
0x84: {  	_ =	shalt  }
0x85: {  	_ =	shalt  }
0x86: {  	_ =	shalt  }
0x87: {  	_ =	shalt  }
.Lfunc_end0:
.L_simem_size_0:
called_computation.1_lowered:
.L_overlay_start_0:
0x88: {  	s2 =	sld [smem:$0x3FD9]  }
0x89: {  	s3 =	sld [smem:$0x3FFE];
	_ =	sdelay $0x1  }
0x8a: {  	s1 =	srdreg.scid  }
0x8b: {  	s0 =	sand.u32 $0x1, s1  }
0x8c: {  	s17 =	sshll.u32 s0, $0xA;
	s2 =	sadd.s32 s3, s2  }
0x8d: {  	s2 =	sadd.s32 s2, s17  }
0x8e: {  	[smem:$0x3FC6] =	sst s2  }
0x8f: {  	_ = 	snop  }
0x90: {  	s2 =	sld [smem:$0x3FC9]  }
0x91: {  	s18 =	sld [smem:$0x3FD0];
	(tm) =	ssettm $0x1  }
0x92: {  	s4 =	sld [smem:$0x3FFB];
	_ =	sdelay $0x3  }
0x93: {  	_ =	strace s4  }
0x94: {  	s4 =	sld [smem:$0x3FFC];
	_ =	sdelay $0x3  }
0x95: {  	_ =	strace s4  }
0x96: {  	s4 =	sld [smem:$0x3FFD];
	_ =	sdelay $0x3  }
0x97: {  	_ =	strace s4  }
0x98: {  	_ =	strace $0x8FFFFFFF  }
0x99: {  	s19 =	sld [smem:$0x3FDB];
	_ =	sdelay $0x1  }
0x9a: {  	s5 =	simm.s32 $_scs_section_size  }
0x9b: {  	s6 =	simm.s32 $_size__tile_overlayer_lowered;
	s7 =	simm.s32 $_tile_overlayer_lowered  }
0x9c: {  	s22 =	simm.s32 $0x1BFF;
	s21 =	sshll.u32 s7, $0x1;
	s4 =	sadd.s32 s5, s19  }
0x9d: {  	s8 =	simm.s32 $0x0;
	s20 =	sshll.u32 s6, $0x1;
	s6 =	sadd.s32 s21, s4  }
0x9e: {  	[timem:s8], [sflag:s22] =	dma.local [hbm:s6], s20  }
0x9f: {  	_ =	swait.ge [sflag:s22], s20  }
0xa0: {  	s5 =	ssub.s32 $0x0, s20;
	[sflag:s22] =	ssyncset.done $0x0  }
0xa1: {  	[sflag:s22] =	ssyncadd.s32 s5;
	_ =	sdelay $0x1  }
0xa2: {  	s23 =	simm.s32 $0x1B8B  }
0xa3: {  	_ =	swait.ge [sflag:s23], $0x1  }
0xa4: {  	[sflag:s23] =	ssyncset.done $0x0  }
0xa5: {  	s25 =	simm.s32 $0x1B8E;
	s24 =	sld [smem:$0x3FFE];
	[sflag:s23] =	ssyncadd.s32 $0xFFFFFFFF  }
0xa6: {  	s26 =	simm.s32 $execute0_lowered;
	[smem:$0x3FD2] =	sst s25  }
0xa7: {  	s6 =	sshll.u32 s26, $0x1;
	_ =	strace $0x80000049;
	[dreg:$0x1] =	wrdreg $0xFFFFFFFF  }
0xa8: {  	s28 =	simm.s32 $_size_execute0_lowered;
	s4 =	sadd.s32 s4, s6;
	[dreg:$0x0] =	wrdreg $0x0  }
0xa9: {  	s6 =	sshll.u32 s28, $0x1;
	[dreg:$0x2] =	wrdreg s4  }
0xaa: {  	[dreg:$0x3] =	wrdreg s6  }
0xab: {  	[dreg:$0x4] =	wrdreg $0xC0  }
0xac: {  	_ =	task [dreg:s8], $0x5FFFF  }
0xad: {  	[dreg:$0x1] =	wrdreg $0xFFFFFFFF  }
0xae: {  	[dreg:$0x0] =	wrdreg $0x60  }
0xaf: {  	[dreg:$0x2] =	wrdreg s24  }
0xb0: {  	[dreg:$0x3] =	wrdreg s2  }
0xb1: {  	[dreg:$0x4] =	wrdreg s18  }
0xb2: {  	[dreg:$0x5] =	wrdreg $0x9  }
0xb3: {  	_ =	task.clear_ibuf [dreg:s8], $0x6FFFF;
	_ =	strace $0x90000049  }
0xb4: {  	s29 =	simm.s32 $0x9;
	_ =	strace $0x8000004B  }
0xb5: {  	_ =	swait.ge [sflag:s29], $0x1  }
0xb6: {  	[sflag:s29] =	ssyncadd.s32 $0xFFFFFFFF  }
0xb7: {  	_ =	strace $0x9000004B  }
0xb8: {  	_ =	sfence  }
0xb9: {  	s30 =	sld [smem:$0x0];
	_ =	sdelay $0x2  }
0xba: {  	s31 =	sshll.u32 s1, $0xD;
	s1 =	sshrl.u32 s1, $0x2  }
0xbb: {  	s3 =	sand.u32 $0x4000, s31;
	s1 =	sadd.s32 s1, s30  }
0xbc: {  	s0 =	sor.u32 s3, s0;
	s1 =	sshll.u32 s1, $0x11  }
0xbd: {  	s0 =	sor.u32 s1, s0  }
0xbe: {  	s0 =	sadd.s32 $0x8F2B, s0  }
0xbf: {  	[sflag:s0] =	ssyncadd.remote.s32 $0x1  }
0xc0: {  	_ =	sfence.sel $0xFFFF  }
0xc1: {  	[dreg:$0x0] =	wrdreg $0xFFFFFFFF;
	(pc) =	sbr.abs _section_cstart, $3  }
0xc2: {  	[dreg:$0x1] =	wrdreg $0xFFFFFFFF  }
0xc3: {  	_ =	task.clear_ibuf [dreg:s8], $0x2FFFF;
	_ =	strace $0x9FFFFFFF  }
0xc4: {  	(tm) =	ssettm $0x7FFFFFFF  }
0xc5: {  	_ =	shalt  }
tec
execute0_lowered:
.L_overlay_start_1:
0x0: {  	(tag) =	ssettag $0x1  }
0x1: {  	v0 =	vimm.s32 $0x2380;
	vm0 =	vcmask $0x300  }
0x2: {  	vm14 =	vcmask $0x704;
	v0 =	vsel vm0, $0x0, v0  }
0x3: {  	vm15 =	vcmask $0xB08;
	v0 =	vsel vm14, $0x80, v0  }
0x4: {  	s0 =	rddreg [dreg:$0x0];
	vm4 =	vcmask $0xF0C;
	v0 =	vsel vm15, $0x100, v0  }
0x5: {  	s1 =	rddreg [dreg:$0x1];
	vm5 =	vcmask $0x1310;
	s3 =	srdreg.scid;
	v0 =	vsel vm4, $0x180, v0  }
0x6: {  	s4 =	stileid.u32;
	vm6 =	vcmask $0x1714;
	s2 =	rddreg [dreg:$0x2];
	v0 =	vsel vm5, $0x200, v0  }
0x7: {  	vm7 =	vcmask $0x1B18;
	s14 =	simm.s32 $0x4;
	s15 =	simm.s32 $0xC800;
	s16 =	simm.s32 $0xE800;
	v0 =	vsel vm6, $0x280, v0  }
0x8: {  	vm8 =	vcmask $0x1F1C;
	s17 =	simm.s32 $0x3;
	s18 =	simm.s32 $0x8800;
	s19 =	simm.s32 $0xA800;
	v0 =	vsel vm7, $0x300, v0  }
0x9: {  	vm9 =	vcmask $0x2320;
	s20 =	simm.s32 $0x5;
	s21 =	simm.s32 $0x6;
	s22 =	simm.s32 $0x0;
	v0 =	vsel vm8, $0x380, v0  }
0xa: {  	vm10 =	vcmask $0x2724;
	s5 =	sand.u32 $0x1, s3;
	s4 =	sshll.u32 s4, $0x1;
	s3 =	simm.s32 $0x0;
	v0 =	vsel vm9, $0x2000, v0  }
0xb: {  	vm11 =	vcmask $0x2B28;
	s6 =	sadd.s32 $0x800, s0;
	s10 =	sadd.s32 $0x2000, s1;
	s11 =	sadd.s32 $0x30D400, s2;
	v0 =	vsel vm10, $0x2080, v0  }
.Ltmp0:
0xc: {  	vm12 =	vcmask $0x2F2C;
	s4 =	sor.u32 s5, s4;
	[smem:$0x7FF] =	sst s3;
	v0 =	vsel vm11, $0x2100, v0;
	(pc) =	sbr.rel .LBB2_1-.Ltmp0, $4  }
0xd: {  	vm13 =	vcmask $0x3330;
	s7 =	ssub.s32 $0x2, s5;
	s30 =	sshll.u32 s4, $0x7;
	_ =	strace $0x8000004A;
	v0 =	vsel vm12, $0x2180, v0  }
0xe: {  	vm14 =	vcmask $0x3734;
	s8 =	sshrl.u32 s7, $0x1;
	s9 =	ssub.s32 $0xC15, s4;
	s5 =	sadd.s32 s1, s30;
	v0 =	vsel vm13, $0x2200, v0  }
0xf: {  	vm15 =	vcmask $0x3B38;
	s31 =	ssub.s32 s7, s8;
	[dreg:$0x4] =	wrdreg s5;
	s5 =	sadd.s32 $0x1000, s5;
	v0 =	vsel vm14, $0x2280, v0  }
0x10: {  	s8 =	sor.u32 $0xFFFFFFE0, s4;
	s12 =	smax.u32 s31, $0x1;
	[dreg:$0x5] =	wrdreg s5;
	v0 =	vsel vm15, $0x2300, v0  }
.LBB2_15:
0x11: {  	_ =	swait.ge [sflag:s20], $0x2000  }
0x12: {  	[sflag:s20] =	ssyncset.done $0x0  }
0x13: {  	[sflag:s20] =	ssyncadd.s32 $0xFFFFE000  }
0x14: {  	_ =	swait.ge [sflag:s20], $0x2000  }
0x15: {  	[sflag:s20] =	ssyncset.done $0x0  }
0x16: {  	s22 =	sadd.s32 $0x1, s22;
	[sflag:s20] =	ssyncadd.s32 $0xFFFFE000  }
0x17: {  	p0 =	sne.s32 s22, s12;
	_ =	swait.ge [sflag:s21], $0x2000  }
.Ltmp1:
0x18: {  	[sflag:s21] =	ssyncset.done $0x0;
	(pc) =	sbr.rel @!p0 .LBB2_16-.Ltmp1, $4  }
0x19: {  	[sflag:s21] =	ssyncadd.s32 $0xFFFFE000  }
0x1a: {  	_ =	swait.ge [sflag:s21], $0x2000  }
0x1b: {  	[sflag:s21] =	ssyncset.done $0x0  }
0x1c: {  	[sflag:s21] =	ssyncadd.s32 $0xFFFFE000  }
.LBB2_1:
.Ltmp2:
0x1d: {  	(pc) =	sbr.rel .LBB2_2-.Ltmp2, $4  }
0x1e: {  	s0 =	rddreg [dreg:$0x4]  }
0x1f: {  	[tilespmem:s3], [sflag:$0x1] =	stream.linear.gather [hbm4b:s0+s3], $0x400, $0x38;
	[tilespmem:$0x10800] =	vst v63  }
0x20: {  	s31 =	rddreg [dreg:$0x5];
	s1 =	simm.s32 $0x400;
	s23 =	simm.s32 $0x0  }
0x21: {  	[tilespmem:s1], [sflag:$0x2] =	stream.linear.gather [hbm4b:s31+s3], $0x400, $0x38;
	[tilespmem:$0x10800] =	vst v63  }
.LBB2_14:
0x22: {  	s23 =	sadd.s32 $0x1, s23  }
0x23: {  	p0 =	sne.s32 s23, $0x32  }
.Ltmp3:
0x24: {  	_ = 	snop;
	(pc) =	sbr.rel @!p0 .LBB2_15-.Ltmp3, $1  }
0x25: {  	_ =	sdelay $0x3  }
.LBB2_2:
0x26: {  	s25 =	sshll.u32 s23, $0x6  }
0x27: {  	p0 =	seq.s32 s23, $0x0;
	s26 =	sadd.s32 s8, s25  }
0x28: {  	s24 =	sor.u32 s4, s25;
	p2 =	sgt.s32 @!p0 s26, $0xC34  }
0x29: {  	p1 =	sgt.u32 s24, $0xC34;
	p2 =	por p0, p2  }
.Ltmp4:
0x2a: {  	s0 =	simm.s32 @!p1 $0x1;
	(pc) =	sbr.rel @p2 .LBB2_8-.Ltmp4, $4  }
0x2b: {  	_ =	swait.ge @!p1 [sflag:s0], $0x400  }
0x2c: {  	s1 =	simm.s32 @!p1 $0x0;
	[sflag:s0] =	ssyncset.done @!p1 $0x0  }
0x2d: {  	s13 =	simm.s32 @!p1 $0x800;
	[sflag:s0] =	ssyncadd.s32 @!p1 $0xFFFFFC00;
	s0 =	simm.s32 @!p1 $0x400  }
0x2e: {  	[tilespmem:s13], [sflag:$0x3] =	stream.indirect.gather @!p1 [hbm4b:s6+s0], $0x10, s1, s0, $0xb8;
	[tilespmem:$0x10800] =	vst v63  }
0x2f: {  	_ =	swait.ge [sflag:s14], $0x4000;
	p2 =	sgt.s32 s26, $0xBF4  }
0x30: {  	[sflag:s14] =	ssyncset.done $0x0;
	s0 =	sshll.u32 @!p2 s26, $0x7;
	s1 =	simm.s32 @!p2 $0x0  }
0x31: {  	s13 =	simm.s32 @!p2 $0x400;
	[sflag:s14] =	ssyncadd.s32 $0xFFFFC000;
	s0 =	sadd.s32 @!p2 s10, s0  }
0x32: {  	[tilespmem:s13], [sflag:$0x2] =	stream.linear.gather @!p2 [hbm4b:s0+s1], $0x400, $0x38;
	[tilespmem:$0x10800] =	vst v63  }
0x33: {  	p2 =	slt.u32 s23, $0x2  }
0x34: {  	s0 =	simm.s32 @!p2 $0x6  }
0x35: {  	_ =	swait.ge @!p2 [sflag:s0], $0x2000  }
0x36: {  	[sflag:s0] =	ssyncset.done @!p2 $0x0  }
0x37: {  	[sflag:s0] =	ssyncadd.s32 @!p2 $0xFFFFE000  }
0x38: {  	_ =	swait.ge @!p2 [sflag:s0], $0x2000  }
0x39: {  	s28 =	simm.s32 $0x0;
	[sflag:s0] =	ssyncset.done @!p2 $0x0  }
0x3a: {  	s29 =	simm.s32 $0x4870;
	s30 =	simm.s32 $0x0;
	[sflag:s0] =	ssyncadd.s32 @!p2 $0xFFFFE000  }
.LBB2_4:
0x3b: {  	s0 =	sshll.u32 s30, $0xA  }
0x3c: {  	s7 =	simm.s32 $0x7;
	v1 =	vor.u32 s0, v0  }
0x3d: {  	s1 =	simm.s32 $0x1;
	v5 =	vld [tilespmem:s29+$0x0];
	v6 =	vor.u32 s7, v1  }
0x3e: {  	v8 =	vld [tilespmem:s29+$0xFFFFFFA0];
	s13 =	simm.s32 $0x2;
	v9 =	vor.u32 s1, v1  }
0x3f: {  	v12 =	vld [tilespmem:s29+$0xFFFFFFB0];
	v13 =	vor.u32 s13, v1;
	s1 =	simm.s32 $0x3  }
0x40: {  	v4 =	vld [tilespmem:s29+$0xFFFFFFC0];
	s5 =	simm.s32 $0x4;
	v10 =	vor.u32 s1, v1  }
0x41: {  	v3 =	vld [tilespmem:s29+$0xFFFFFFD0];
	s7 =	simm.s32 $0x5;
	v11 =	vor.u32 s5, v1  }
0x42: {  	v2 =	vld [tilespmem:s29+$0xFFFFFFE0];
	s13 =	simm.s32 $0x6;
	v7 =	vor.u32 s7, v1;
	[tilespmem:v6+s15+$0x0] =	vst.idx.msk $0xffff, v5  }
0x43: {  	s31 =	simm.s32 $0x8;
	[tilespmem:v9+s15+$0x0] =	vst.idx.msk $0xffff, v8;
	v5 =	vld [tilespmem:s29+$0xFFFFFFF0];
	v8 =	vor.u32 s13, v1  }
0x44: {  	s0 =	simm.s32 $0x10;
	s1 =	sadd.s32 $0x80, s29;
	s13 =	simm.s32 $0xF;
	v6 =	vld [tilespmem:s29+$0xFFFFFF90];
	v9 =	vor.u32 s28, v1;
	[tilespmem:v13+s15+$0x0] =	vst.idx.msk $0xffff, v12  }
.LBB2_5:
0x45: {  	p2 =	slt.u32 s0, $0x78;
	s7 =	sadd.s32 $0x1, s31;
	v12 =	vld [tilespmem:s1+$0x0];
	v13 =	vor.u32 s13, v1;
	[tilespmem:v10+s15+$0x0] =	vst.idx.msk $0xffff, v4;
	s5 =	smov.u32 s31  }
0x46: {  	s31 =	smov.u32 s0;
	v14 =	vld [tilespmem:s1+$0xFFFFFFA0];
	v15 =	vor.u32 s7, v1;
	s7 =	sadd.s32 $0x2, s5;
	[tilespmem:v11+s15+$0x0] =	vst.idx.msk $0xffff, v3  }
0x47: {  	v16 =	vld [tilespmem:s1+$0xFFFFFFB0];
	v17 =	vor.u32 s7, v1;
	s7 =	sadd.s32 $0x3, s5;
	[tilespmem:v7+s15+$0x0] =	vst.idx.msk $0xffff, v2  }
.Ltmp5:
0x48: {  	v4 =	vld [tilespmem:s1+$0xFFFFFFC0];
	v10 =	vor.u32 s7, v1;
	s7 =	sadd.s32 $0x4, s5;
	[tilespmem:v8+s15+$0x0] =	vst.idx.msk $0xffff, v5;
	(pc) =	sbr.rel @p2 .LBB2_5-.Ltmp5, $4  }
0x49: {  	v3 =	vld [tilespmem:s1+$0xFFFFFFD0];
	v11 =	vor.u32 s7, v1;
	s7 =	sadd.s32 $0x5, s5;
	[tilespmem:v9+s15+$0x0] =	vst.idx.msk $0xffff, v6  }
0x4a: {  	v2 =	vld [tilespmem:s1+$0xFFFFFFE0];
	v7 =	vor.u32 s7, v1;
	s7 =	sadd.s32 $0x6, s5;
	[tilespmem:v13+s15+$0x0] =	vst.idx.msk $0xffff, v12  }
0x4b: {  	[tilespmem:v15+s15+$0x0] =	vst.idx.msk $0xffff, v14;
	v5 =	vld [tilespmem:s1+$0xFFFFFFF0];
	v8 =	vor.u32 s7, v1  }
0x4c: {  	s0 =	sadd.s32 $0x8, s0;
	s13 =	sadd.s32 $0x7, s31;
	v9 =	vor.u32 s5, v1;
	v6 =	vld [tilespmem:s1+$0xFFFFFF90];
	[tilespmem:v17+s15+$0x0] =	vst.idx.msk $0xffff, v16;
	s1 =	sadd.s32 $0x80, s1  }
0x4d: {  	_ =	sdelay $0x3  }
0x4e: {  	s0 =	sadd.s32 $0x1, s31;
	v12 =	vld [tilespmem:s1+$0x0];
	v13 =	vor.u32 s13, v1;
	[tilespmem:v10+s15+$0x0] =	vst.idx.msk $0xffff, v4  }
0x4f: {  	v53 =	vld [tilespmem:s1+$0xFFFFFFA0];
	s7 =	sadd.s32 $0x2, s31;
	v54 =	vor.u32 s0, v1;
	[tilespmem:v11+s15+$0x0] =	vst.idx.msk $0xffff, v3  }
0x50: {  	s5 =	sadd.s32 $0x4, s31;
	v3 =	vld [tilespmem:s1+$0xFFFFFFB0];
	v55 =	vor.u32 s7, v1;
	[tilespmem:v7+s15+$0x0] =	vst.idx.msk $0xffff, v2  }
0x51: {  	s13 =	sadd.s32 $0x3, s31;
	v57 =	vld [tilespmem:s1+$0xFFFFFFD0];
	v58 =	vor.u32 s5, v1;
	[tilespmem:v8+s15+$0x0] =	vst.idx.msk $0xffff, v5  }
0x52: {  	v56 =	vor.u32 s13, v1;
	s7 =	sadd.s32 $0x5, s31;
	v2 =	vld [tilespmem:s1+$0xFFFFFFC0];
	[tilespmem:v9+s15+$0x0] =	vst.idx.msk $0xffff, v6  }
0x53: {  	v59 =	vld [tilespmem:s1+$0xFFFFFFE0];
	s13 =	sadd.s32 $0x6, s31;
	v60 =	vor.u32 s7, v1;
	[tilespmem:v13+s15+$0x0] =	vst.idx.msk $0xffff, v12  }
0x54: {  	v61 =	vld [tilespmem:s1+$0xFFFFFFF0];
	s30 =	sadd.s32 $0x1, s30;
	v62 =	vor.u32 s13, v1;
	[tilespmem:v54+s15+$0x0] =	vst.idx.msk $0xffff, v53  }
0x55: {  	v63 =	vld [tilespmem:s1+$0xFFFFFF90];
	p2 =	sne.s32 s30, $0x8;
	v1 =	vor.u32 s31, v1;
	[tilespmem:v55+s15+$0x0] =	vst.idx.msk $0xffff, v3  }
.Ltmp6:
0x56: {  	[tilespmem:v58+s15+$0x0] =	vst.idx.msk $0xffff, v57;
	(pc) =	sbr.rel @p2 .LBB2_4-.Ltmp6, $4  }
0x57: {  	[tilespmem:v56+s15+$0x0] =	vst.idx.msk $0xffff, v2  }
0x58: {  	[tilespmem:v60+s15+$0x0] =	vst.idx.msk $0xffff, v59  }
0x59: {  	[tilespmem:v62+s15+$0x0] =	vst.idx.msk $0xffff, v61  }
0x5a: {  	s29 =	sadd.s32 $0x800, s29;
	[tilespmem:v1+s15+$0x0] =	vst.idx.msk $0xffff, v63  }
0x5b: {  	s0 =	sshll.u32 s26, $0xD  }
0x5c: {  	s1 =	sshrl.u32 s0, $0x3;
	s0 =	sadd.s32 $0x186A000, s0  }
0x5d: {  	s1 =	sadd.s32 s2, s1;
	s0 =	sshrl.u32 s0, $0x3  }
0x5e: {  	[hbm4b:s1+s3] =	stream.linear.scatter [tilespmem:s15], [sflag:$0x6], $0x2000, $0x38;
	[tilespmem:$0x10800] =	vst v63  }
0x5f: {  	s0 =	sadd.s32 s2, s0  }
0x60: {  	[hbm4b:s0+s3] =	stream.linear.scatter [tilespmem:s16], [sflag:$0x6], $0x2000, $0x38;
	[tilespmem:$0x10800] =	vst v63  }
.LBB2_8:
0x61: {  	p2 =	sge.u32 s25, s9  }
.Ltmp7:
0x62: {  	s0 =	simm.s32 @!p2 $0x2;
	(pc) =	sbr.rel @p1 .LBB2_14-.Ltmp7, $4  }
0x63: {  	_ =	swait.ge @!p2 [sflag:s0], $0x400  }
0x64: {  	[sflag:s0] =	ssyncset.done @!p2 $0x0  }
0x65: {  	s1 =	simm.s32 @!p2 $0x4800;
	[sflag:s0] =	ssyncadd.s32 @!p2 $0xFFFFFC00;
	s0 =	simm.s32 @!p2 $0x400  }
0x66: {  	[tilespmem:s1], [sflag:$0x4] =	stream.indirect.gather @!p2 [hbm4b:s6+s0], $0x10, s0, s0, $0xb8;
	[tilespmem:$0x10800] =	vst v63  }
0x67: {  	_ =	swait.ge [sflag:s17], $0x4000;
	p1 =	sgt.u32 s24, $0xBF4  }
0x68: {  	[sflag:s17] =	ssyncset.done $0x0;
	s0 =	sshll.u32 @!p1 s24, $0x7  }
0x69: {  	s1 =	simm.s32 @!p1 $0x0;
	[sflag:s17] =	ssyncadd.s32 $0xFFFFC000;
	s0 =	sadd.s32 @!p1 s0, s10  }
0x6a: {  	[tilespmem:s1], [sflag:$0x1] =	stream.linear.gather @!p1 [hbm4b:s0+s1], $0x400, $0x38;
	[tilespmem:$0x10800] =	vst v63  }
0x6b: {  	s0 =	simm.s32 @!p0 $0x5  }
0x6c: {  	_ =	swait.ge @!p0 [sflag:s0], $0x2000  }
0x6d: {  	[sflag:s0] =	ssyncset.done @!p0 $0x0  }
0x6e: {  	[sflag:s0] =	ssyncadd.s32 @!p0 $0xFFFFE000  }
0x6f: {  	_ =	swait.ge @!p0 [sflag:s0], $0x2000  }
0x70: {  	s25 =	simm.s32 $0x0;
	[sflag:s0] =	ssyncset.done @!p0 $0x0  }
0x71: {  	s26 =	simm.s32 $0x840;
	s28 =	simm.s32 $0x0;
	[sflag:s0] =	ssyncadd.s32 @!p0 $0xFFFFE000  }
.LBB2_10:
0x72: {  	s0 =	sshll.u32 s28, $0xA  }
0x73: {  	s31 =	simm.s32 $0x7;
	v1 =	vor.u32 s0, v0  }
0x74: {  	s1 =	simm.s32 $0x1;
	v5 =	vld [tilespmem:s26+$0x30];
	v6 =	vor.u32 s31, v1  }
0x75: {  	v8 =	vld [tilespmem:s26+$0xFFFFFFD0];
	s5 =	simm.s32 $0x2;
	v9 =	vor.u32 s1, v1  }
0x76: {  	v12 =	vld [tilespmem:s26+$0xFFFFFFE0];
	s7 =	simm.s32 $0x3;
	v13 =	vor.u32 s5, v1  }
0x77: {  	v4 =	vld [tilespmem:s26+$0xFFFFFFF0];
	s13 =	simm.s32 $0x4;
	v10 =	vor.u32 s7, v1  }
0x78: {  	v3 =	vld [tilespmem:s26+$0x0];
	s30 =	simm.s32 $0x5;
	v11 =	vor.u32 s13, v1  }
0x79: {  	v2 =	vld [tilespmem:s26+$0x10];
	v7 =	vor.u32 s30, v1;
	s31 =	simm.s32 $0x6;
	[tilespmem:v6+s18+$0x0] =	vst.idx.msk $0xffff, v5  }
0x7a: {  	s29 =	simm.s32 $0x8;
	[tilespmem:v9+s18+$0x0] =	vst.idx.msk $0xffff, v8;
	v5 =	vld [tilespmem:s26+$0x20];
	v8 =	vor.u32 s31, v1  }
0x7b: {  	s0 =	simm.s32 $0x10;
	s13 =	simm.s32 $0xF;
	s1 =	sadd.s32 $0x80, s26;
	v6 =	vld [tilespmem:s26+$0xFFFFFFC0];
	v9 =	vor.u32 s25, v1;
	[tilespmem:v13+s18+$0x0] =	vst.idx.msk $0xffff, v12  }
.LBB2_11:
0x7c: {  	p0 =	slt.u32 s0, $0x78;
	s5 =	sadd.s32 $0x1, s29;
	v12 =	vld [tilespmem:s1+$0x30];
	v13 =	vor.u32 s13, v1;
	[tilespmem:v10+s18+$0x0] =	vst.idx.msk $0xffff, v4;
	s7 =	smov.u32 s29  }
0x7d: {  	s29 =	smov.u32 s0;
	v14 =	vld [tilespmem:s1+$0xFFFFFFD0];
	v15 =	vor.u32 s5, v1;
	s5 =	sadd.s32 $0x2, s7;
	[tilespmem:v11+s18+$0x0] =	vst.idx.msk $0xffff, v3  }
0x7e: {  	v16 =	vld [tilespmem:s1+$0xFFFFFFE0];
	v17 =	vor.u32 s5, v1;
	s5 =	sadd.s32 $0x3, s7;
	[tilespmem:v7+s18+$0x0] =	vst.idx.msk $0xffff, v2  }
.Ltmp8:
0x7f: {  	v4 =	vld [tilespmem:s1+$0xFFFFFFF0];
	v10 =	vor.u32 s5, v1;
	s5 =	sadd.s32 $0x4, s7;
	[tilespmem:v8+s18+$0x0] =	vst.idx.msk $0xffff, v5;
	(pc) =	sbr.rel @p0 .LBB2_11-.Ltmp8, $4  }
0x80: {  	v3 =	vld [tilespmem:s1+$0x0];
	v11 =	vor.u32 s5, v1;
	s5 =	sadd.s32 $0x5, s7;
	[tilespmem:v9+s18+$0x0] =	vst.idx.msk $0xffff, v6  }
0x81: {  	v2 =	vld [tilespmem:s1+$0x10];
	v7 =	vor.u32 s5, v1;
	s5 =	sadd.s32 $0x6, s7;
	[tilespmem:v13+s18+$0x0] =	vst.idx.msk $0xffff, v12  }
0x82: {  	[tilespmem:v15+s18+$0x0] =	vst.idx.msk $0xffff, v14;
	v5 =	vld [tilespmem:s1+$0x20];
	v8 =	vor.u32 s5, v1  }
0x83: {  	s0 =	sadd.s32 $0x8, s0;
	s13 =	sadd.s32 $0x7, s29;
	v9 =	vor.u32 s7, v1;
	v6 =	vld [tilespmem:s1+$0xFFFFFFC0];
	[tilespmem:v17+s18+$0x0] =	vst.idx.msk $0xffff, v16;
	s1 =	sadd.s32 $0x80, s1  }
0x84: {  	_ =	sdelay $0x3  }
0x85: {  	s0 =	sadd.s32 $0x1, s29;
	v12 =	vld [tilespmem:s1+$0x30];
	v13 =	vor.u32 s13, v1;
	[tilespmem:v10+s18+$0x0] =	vst.idx.msk $0xffff, v4  }
0x86: {  	v53 =	vld [tilespmem:s1+$0xFFFFFFD0];
	s5 =	sadd.s32 $0x2, s29;
	v54 =	vor.u32 s0, v1;
	[tilespmem:v11+s18+$0x0] =	vst.idx.msk $0xffff, v3  }
0x87: {  	s13 =	sadd.s32 $0x4, s29;
	v3 =	vld [tilespmem:s1+$0xFFFFFFE0];
	v55 =	vor.u32 s5, v1;
	[tilespmem:v7+s18+$0x0] =	vst.idx.msk $0xffff, v2  }
0x88: {  	v57 =	vld [tilespmem:s1+$0x0];
	s30 =	sadd.s32 $0x5, s29;
	v58 =	vor.u32 s13, v1;
	[tilespmem:v8+s18+$0x0] =	vst.idx.msk $0xffff, v5  }
0x89: {  	v59 =	vld [tilespmem:s1+$0x10];
	s31 =	sadd.s32 $0x6, s29;
	v60 =	vor.u32 s30, v1;
	[tilespmem:v9+s18+$0x0] =	vst.idx.msk $0xffff, v6  }
0x8a: {  	s7 =	sadd.s32 $0x3, s29;
	v61 =	vld [tilespmem:s1+$0x20];
	v62 =	vor.u32 s31, v1;
	[tilespmem:v13+s18+$0x0] =	vst.idx.msk $0xffff, v12  }
0x8b: {  	v63 =	vld [tilespmem:s1+$0xFFFFFFC0];
	s28 =	sadd.s32 $0x1, s28;
	v56 =	vor.u32 s7, v1;
	v1 =	vor.u32 s29, v1;
	[tilespmem:v54+s18+$0x0] =	vst.idx.msk $0xffff, v53  }
0x8c: {  	p0 =	sne.s32 s28, $0x8;
	v2 =	vld [tilespmem:s1+$0xFFFFFFF0];
	[tilespmem:v55+s18+$0x0] =	vst.idx.msk $0xffff, v3  }
.Ltmp9:
0x8d: {  	[tilespmem:v58+s18+$0x0] =	vst.idx.msk $0xffff, v57;
	(pc) =	sbr.rel @p0 .LBB2_10-.Ltmp9, $4  }
0x8e: {  	[tilespmem:v60+s18+$0x0] =	vst.idx.msk $0xffff, v59  }
0x8f: {  	[tilespmem:v62+s18+$0x0] =	vst.idx.msk $0xffff, v61  }
0x90: {  	[tilespmem:v1+s18+$0x0] =	vst.idx.msk $0xffff, v63  }
0x91: {  	s26 =	sadd.s32 $0x800, s26;
	[tilespmem:v56+s18+$0x0] =	vst.idx.msk $0xffff, v2  }
.Ltmp10:
0x92: {  	s0 =	sshll.u32 s24, $0xA;
	(pc) =	sbr.rel .LBB2_14-.Ltmp10, $4  }
0x93: {  	s1 =	sadd.s32 s2, s0  }
0x94: {  	[hbm4b:s1+s3] =	stream.linear.scatter [tilespmem:s18], [sflag:$0x5], $0x2000, $0x38;
	[tilespmem:$0x10800] =	vst v63  }
0x95: {  	s0 =	sadd.s32 s0, s11  }
0x96: {  	[hbm4b:s0+s3] =	stream.linear.scatter [tilespmem:s19], [sflag:$0x5], $0x2000, $0x38;
	[tilespmem:$0x10800] =	vst v63  }
.LBB2_16:
0x97: {  	_ =	sfence.sel $0x180000  }
0x98: {  	[bflag:$0x0] =	sbarrier.arrive $0xFFFF  }
0x99: {  	_ =	strace $0x9000004A  }
0x9a: {  	s0 =	stileid.u32;
	[bflag:$0x2] =	sbarrier.arrive $0xFFFF  }
0x9b: {  	p0 =	sne.s32 s0, $0x0;
	s0 =	rddreg [dreg:$0x3]  }
0x9c: {  	s0 =	sadd.s32 @!p0 $0x100000, s0  }
0x9d: {  	[sflag:s0] =	ssyncadd.tile.s32 @!p0 $0x1;
	_ =	shalt  }
.Lfunc_end2:
_tile_overlayer_lowered:
.L_overlay_start_2:
0x9e: {  	(tag) =	ssettag $0x2  }
0x9f: {  	s0 =	rddreg [dreg:$0x0];
	s2 =	stileid.u32  }
0xa0: {  	s1 =	rddreg [dreg:$0x1];
	p0 =	sne.s32 s2, $0x0  }
0xa1: {  	s3 =	rddreg [dreg:$0x2];
	[bflag:$0x3] =	sbarrier.arrive $0xFFFF;
	s2 =	simm.s32 @!p0 $0x1C07  }
0xa2: {  	[timem:s3], [sflag:s2] =	dma.local @!p0 [hbm:s0], s1  }
0xa3: {  	s0 =	simm.s32 @!p0 $0x7  }
0xa4: {  	_ =	swait.ge @!p0 [sflag:s0], s1  }
0xa5: {  	s1 =	ssub.s32 @!p0 $0x0, s1;
	[sflag:s0] =	ssyncset.done @!p0 $0x0  }
0xa6: {  	[sflag:s0] =	ssyncadd.s32 @!p0 s1  }
0xa7: {  	[bflag:$0x3] =	sbarrier.arrive $0xFFFF  }
0xa8: {  	_ =	shalt  }

</sc_bundles>
